<compile_context>
chip_gen: v7x
topology: tpu7x:2x2x1
jax: 0.10.2.dev20260603
libtpu: 0.0.44.dev20260713+nightly
codegen_flags: <defaults>
</compile_context>

<pallas_src>
import functools

import jax
import jax.numpy as jnp
from jax import lax
from jax.experimental import pallas as pl
from jax.experimental.pallas import tpu as pltpu
from jax.experimental.pallas import tpu_sc as plsc

N = 10000
E = 320000
D = 128
G = 64
NC = 2
NS = 16
NW = NC * NS
CW = 128
CH = 80
IH = CH // 2
E_PAD = NW * CH * CW
RPT = 632
N_ACC = NS * RPT
PN = 400
PC = 80
PJ = PN // PC

_mesh = plsc.VectorSubcoreMesh(core_axis_name="c", subcore_axis_name="s")


def _sc_deg_body(dst_hbm, zeros_hbm, ones_hbm, out_hbm, dstv, onesv, acc):
    c = lax.axis_index("c")
    s = lax.axis_index("s")
    wid = c * NS + s
    pltpu.sync_copy(ones_hbm, onesv)
    pltpu.sync_copy(zeros_hbm.at[pl.ds(s * RPT, RPT)],
                    acc.at[pl.ds(s * RPT, RPT)])
    plsc.subcore_barrier()

    for half in range(2):
        pltpu.sync_copy(dst_hbm.at[wid, pl.ds(half * IH, IH)], dstv)

        @pl.loop(0, IH)
        def _(j):
            pltpu.sync_copy(onesv, acc.at[dstv.at[j]], add=True)

    plsc.subcore_barrier()
    pltpu.sync_copy(acc.at[pl.ds(s * RPT, RPT)],
                    out_hbm.at[c, pl.ds(s * RPT, RPT)])


_sc_deg = functools.partial(
    pl.kernel,
    out_type=jax.ShapeDtypeStruct((NC, N_ACC, D), jnp.float32),
    mesh=_mesh,
    scratch_types=[
        pltpu.VMEM((IH, CW), jnp.int32),
        pltpu.VMEM((CW, D), jnp.float32),
        pltpu.VMEM_SHARED((N_ACC, D), jnp.float32),
    ],
)(_sc_deg_body)


def _sc_agg_body(y_hbm, src_hbm, dst_hbm, zeros_hbm, out_hbm,
                 srcv, dstv, buf0, buf1, acc, sem0, sem1):
    c = lax.axis_index("c")
    s = lax.axis_index("s")
    wid = c * NS + s
    pltpu.sync_copy(zeros_hbm.at[pl.ds(s * RPT, RPT)],
                    acc.at[pl.ds(s * RPT, RPT)])
    plsc.subcore_barrier()

    for half in range(2):
        pltpu.sync_copy(src_hbm.at[wid, pl.ds(half * IH, IH)], srcv)
        pltpu.sync_copy(dst_hbm.at[wid, pl.ds(half * IH, IH)], dstv)
        pltpu.async_copy(y_hbm.at[srcv.at[0]], buf0, sem0)
        pltpu.async_copy(y_hbm.at[srcv.at[1]], buf1, sem1)

        @pl.loop(0, IH, step=2)
        def _(j):
            for b, (buf, sem) in enumerate(((buf0, sem0), (buf1, sem1))):
                jj = j + b
                pltpu.make_async_copy(y_hbm.at[srcv.at[jj]], buf, sem).wait()
                pltpu.sync_copy(buf, acc.at[dstv.at[jj]], add=True)

                @pl.when(jj + 2 < IH)
                def _():
                    pltpu.async_copy(y_hbm.at[srcv.at[jj + 2]], buf, sem)

    plsc.subcore_barrier()
    pltpu.sync_copy(acc.at[pl.ds(s * RPT, RPT)],
                    out_hbm.at[c, pl.ds(s * RPT, RPT)])


_sc_agg = functools.partial(
    pl.kernel,
    out_type=jax.ShapeDtypeStruct((NC, N_ACC, D), jnp.float32),
    mesh=_mesh,
    scratch_types=[
        pltpu.VMEM((IH, CW), jnp.int32),
        pltpu.VMEM((IH, CW), jnp.int32),
        pltpu.VMEM((CW, D), jnp.float32),
        pltpu.VMEM((CW, D), jnp.float32),
        pltpu.VMEM_SHARED((N_ACC, D), jnp.float32),
        pltpu.SemaphoreType.DMA,
        pltpu.SemaphoreType.DMA,
    ],
)(_sc_agg_body)


BLK = 1000


def _tc1a_body(x_ref, w_ref, xw_ref):
    xw_ref[...] = lax.dot_general(x_ref[...], w_ref[...],
                                  (((1,), (0,)), ((), ())),
                                  precision=lax.Precision.HIGHEST,
                                  preferred_element_type=jnp.float32)


def _tc1b_body(xw_ref, d0_ref, d1_ref, y_ref, dinv_ref):
    dinv = lax.rsqrt(d0_ref[:, :1] + d1_ref[:, :1] + 1.0)
    y_ref[...] = xw_ref[...] * dinv
    dinv_ref[...] = jnp.broadcast_to(dinv, (BLK, 8))


def _tc2_body(p0_ref, p1_ref, y1_ref, dinv_ref, b_ref, w_ref, y2_ref):
    dv = dinv_ref[:, :1]
    h = jnp.maximum(dv * (p0_ref[...] + p1_ref[...] + y1_ref[...]) + b_ref[...],
                    0.0)
    y2_ref[...] = lax.dot_general(h, w_ref[...], (((1,), (0,)), ((), ())),
                                  precision=lax.Precision.HIGHEST,
                                  preferred_element_type=jnp.float32) * dv


def _tc3_body(p0_ref, p1_ref, y2_ref, dinv_ref, b_ref, batch_ref,
              h_ref, ge_ref, acc_ref, cnt_ref):
    i = pl.program_id(0)
    dv = dinv_ref[:, :1]
    h = jnp.maximum(
        dv * (p0_ref[...] + p1_ref[...] + y2_ref[...]) + b_ref[...], 0.0)
    h_ref[...] = h

    onehot = (batch_ref[...] == lax.broadcasted_iota(
        jnp.int32, (BLK, G), 1)).astype(jnp.float32)
    psum = lax.dot_general(onehot, h, (((0,), (0,)), ((), ())),
                           precision=lax.Precision.HIGHEST,
                           preferred_element_type=jnp.float32)
    cnts = jnp.sum(onehot, axis=0)[:, None]

    @pl.when(i == 0)
    def _():
        acc_ref[...] = jnp.zeros((G, D), jnp.float32)
        cnt_ref[...] = jnp.zeros((G, 8), jnp.float32)

    acc_ref[...] += psum
    cnt_ref[...] += jnp.broadcast_to(cnts, (G, 8))
    ge_ref[...] = acc_ref[...] / jnp.maximum(cnt_ref[:, :1], 1.0)


def _row_spec(w):
    return pl.BlockSpec((BLK, w), lambda i: (i, 0))


def _full_spec(shape):
    return pl.BlockSpec(shape, lambda i: (0, 0))


def kernel(x, edge_index, batch, W1, b1, W2, b2):
    src = edge_index[0].astype(jnp.int32)
    dst = edge_index[1].astype(jnp.int32)
    npad = E_PAD - E
    pad_src = jnp.arange(npad, dtype=jnp.int32) % N
    pad_dst = N + (jnp.arange(npad, dtype=jnp.int32) % (N_ACC - N))
    src3 = jnp.concatenate([src, pad_src]).reshape(NW, CH, CW)
    dst3 = jnp.concatenate([dst, pad_dst]).reshape(NW, CH, CW)
    batchf = batch.astype(jnp.int32).reshape(N, 1)
    zeros128 = jnp.zeros((N_ACC, D), jnp.float32)
    ones128 = jnp.ones((CW, D), jnp.float32)
    b1r = b1.reshape(1, D)
    b2r = b2.reshape(1, D)

    deg = _sc_deg(dst3, zeros128, ones128)
    d0 = deg[0, :N]
    d1 = deg[1, :N]

    grid = N // BLK
    xw = pl.pallas_call(
        _tc1a_body,
        grid=(grid,),
        in_specs=[_row_spec(D), _full_spec((D, D))],
        out_specs=_row_spec(D),
        out_shape=jax.ShapeDtypeStruct((N, D), jnp.float32),
    )(x, W1)

    y1, dinv = pl.pallas_call(
        _tc1b_body,
        grid=(grid,),
        in_specs=[_row_spec(D), _row_spec(D), _row_spec(D)],
        out_specs=[_row_spec(D), _row_spec(8)],
        out_shape=[jax.ShapeDtypeStruct((N, D), jnp.float32),
                   jax.ShapeDtypeStruct((N, 8), jnp.float32)],
    )(xw, d0, d1)

    agg1 = _sc_agg(y1, src3, dst3, zeros128)

    y2 = pl.pallas_call(
        _tc2_body,
        grid=(grid,),
        in_specs=[_row_spec(D), _row_spec(D), _row_spec(D), _row_spec(8),
                  _full_spec((1, D)), _full_spec((D, D))],
        out_specs=_row_spec(D),
        out_shape=jax.ShapeDtypeStruct((N, D), jnp.float32),
    )(agg1[0, :N], agg1[1, :N], y1, dinv, b1r, W2)

    agg2 = _sc_agg(y2, src3, dst3, zeros128)

    h2, graph_emb = pl.pallas_call(
        _tc3_body,
        grid=(grid,),
        in_specs=[_row_spec(D), _row_spec(D), _row_spec(D), _row_spec(8),
                  _full_spec((1, D)), _row_spec(1)],
        out_specs=[_row_spec(D), _full_spec((G, D))],
        out_shape=[jax.ShapeDtypeStruct((N, D), jnp.float32),
                   jax.ShapeDtypeStruct((G, D), jnp.float32)],
        scratch_shapes=[pltpu.VMEM((G, D), jnp.float32),
                        pltpu.VMEM((G, 8), jnp.float32)],
    )(agg2[0, :N], agg2[1, :N], y2, dinv, b2r, batchf)

    return (h2, graph_emb)

# --- scband reference (transcript-rebuilt; emitter-appended) ---
"""Pipeline reference for scband-gcn-89627377533178 (READ-ONLY COPY).

The authoritative reference and input builder live on the scoring server;
editing this copy changes nothing except your own understanding.
"""

import jax, jax.numpy as jnp
import numpy as np

NUM_NODES = 10000
NUM_EDGES = 320000
D_IN = 128
D_HID = 128
NUM_GRAPHS = 64


def setup_inputs(seed: int = 0) -> dict:
    key = jax.random.key(seed)
    k1, k2, k3, k4, k5, k6, k7 = jax.random.split(key, 7)
    x = jax.random.normal(k1, (NUM_NODES, D_IN), dtype=jnp.float32)
    edge_index = jax.random.randint(k2, (2, NUM_EDGES), 0, NUM_NODES, dtype=jnp.int64)
    batch = jnp.sort(jax.random.randint(k3, (NUM_NODES,), 0, NUM_GRAPHS, dtype=jnp.int64))
    W1 = jax.random.normal(k4, (D_IN, D_HID), dtype=jnp.float32) * (1.0 / np.sqrt(D_IN))
    b1 = jnp.zeros((D_HID,), dtype=jnp.float32)
    W2 = jax.random.normal(k5, (D_HID, D_HID), dtype=jnp.float32) * (1.0 / np.sqrt(D_HID))
    b2 = jnp.zeros((D_HID,), dtype=jnp.float32)
    return {"x": x, "edge_index": edge_index, "batch": batch, "W1": W1, "b1": b1, "W2": W2, "b2": b2}


def _gcn_conv(x, W, b, src, dst, num_nodes):
    # GCNConv (PyG semantics): linear transform, add self-loops, symmetric norm, scatter-add aggregate, bias
    xw = x @ W
    loop = jnp.arange(num_nodes, dtype=src.dtype)
    src2 = jnp.concatenate([src, loop])
    dst2 = jnp.concatenate([dst, loop])
    ones = jnp.ones(src2.shape[0], dtype=x.dtype)
    deg = jax.ops.segment_sum(ones, dst2, num_segments=num_nodes)
    dinv = jnp.where(deg > 0, jax.lax.rsqrt(jnp.maximum(deg, 1e-12)), 0.0)
    norm = dinv[src2] * dinv[dst2]
    msg = xw[src2] * norm[:, None]
    out = jax.ops.segment_sum(msg, dst2, num_segments=num_nodes)
    return out + b


def reference(x, edge_index, batch, W1, b1, W2, b2):
    num_nodes = x.shape[0]
    src = edge_index[0]
    dst = edge_index[1]
    h = _gcn_conv(x, W1, b1, src, dst, num_nodes)
    h = jax.nn.relu(h)
    h = _gcn_conv(h, W2, b2, src, dst, num_nodes)
    h = jax.nn.relu(h)
    node_embeddings = h
    # global_mean_pool
    counts = jax.ops.segment_sum(jnp.ones((num_nodes,), dtype=h.dtype), batch, num_segments=NUM_GRAPHS)
    sums = jax.ops.segment_sum(h, batch, num_segments=NUM_GRAPHS)
    graph_embeddings = sums / jnp.maximum(counts, 1.0)[:, None]
    return (node_embeddings, graph_embeddings)

if __name__ == "__main__":
    import jax
    _d = setup_inputs()
    print(jax.jit(kernel)(*tuple(_d.values())))

</pallas_src>

<mosaic_0001>
#map = affine_map<(d0, d1) -> (0, 0)>
#map1 = affine_map<(d0, d1) -> (0, 0, 0)>
module attributes {stable_mosaic.version = 14 : i64} {
  func.func @_sc_agg_body(%arg0: i32, %arg1: i32, %arg2: memref<10000x128xf32, #tpu.memory_space<hbm>>, %arg3: memref<32x80x128xi32, #tpu.memory_space<hbm>>, %arg4: memref<32x80x128xi32, #tpu.memory_space<hbm>>, %arg5: memref<10112x128xf32, #tpu.memory_space<hbm>>, %arg6: memref<2x10112x128xf32, #tpu.memory_space<hbm>>, %arg7: memref<40x128xi32, #tpu.memory_space<vmem>>, %arg8: memref<40x128xi32, #tpu.memory_space<vmem>>, %arg9: memref<128x128xf32, #tpu.memory_space<vmem>>, %arg10: memref<128x128xf32, #tpu.memory_space<vmem>>, %arg11: memref<10112x128xf32, #tpu.memory_space<vmem_shared>>, %arg12: memref<!tpu.dma_semaphore, #tpu.memory_space<semaphore_mem>>, %arg13: memref<!tpu.dma_semaphore, #tpu.memory_space<semaphore_mem>>) attributes {dimension_semantics = [#tpu.dimension_semantics<core_parallel>, #tpu.dimension_semantics<subcore_parallel>], iteration_bounds = array<i64: 2, 16>, scalar_prefetch = 0 : i64, scratch_operands = 7 : i64, tpu.core_type = #tpu.core_type<sc_vector_subcore>, window_params = [{transform_indices = #map}, {transform_indices = #map1}, {transform_indices = #map1}, {transform_indices = #map}, {transform_indices = #map1}]} {
    %mul3A = arith.constant 16 : i32
    %mul3A_0 = arith.muli %arg0, %mul3A : i32
    %add3A = arith.addi %mul3A_0, %arg1 : i32
    %mul3A_1 = arith.constant 632 : i32
    %mul3A_2 = arith.muli %arg1, %mul3A_1 : i32
    %mul3A_3 = arith.constant 632 : i32
    %mul3A_4 = arith.muli %arg1, %mul3A_3 : i32
    "tpu.region"() ({
      %run_scoped3A = tpu.sem_alloc : memref<!tpu.dma_semaphore, #tpu.memory_space<semaphore_mem>>
      %dma_start3A_46 = arith.constant 0 : i32
      %dma_start3A_47 = tpu.memref_slice %arg11[%mul3A_4, %dma_start3A_46] : memref<10112x128xf32, #tpu.memory_space<vmem_shared>> -> memref<632x128xf32, #tpu.memory_space<vmem_shared>>
      %dma_start3A_48 = arith.constant 0 : i32
      %dma_start3A_49 = tpu.memref_slice %arg5[%mul3A_2, %dma_start3A_48] : memref<10112x128xf32, #tpu.memory_space<hbm>> -> memref<632x128xf32, #tpu.memory_space<hbm>>
      tpu.enqueue_dma source(%dma_start3A_49 : memref<632x128xf32, #tpu.memory_space<hbm>>) target(%dma_start3A_47 : memref<632x128xf32, #tpu.memory_space<vmem_shared>>) target_semaphore(%run_scoped3A : memref<!tpu.dma_semaphore, #tpu.memory_space<semaphore_mem>>)
      %dma_wait3A = arith.constant 0 : i32
      %dma_wait3A_50 = tpu.memref_slice %arg11[%mul3A_4, %dma_wait3A] : memref<10112x128xf32, #tpu.memory_space<vmem_shared>> -> memref<632x128xf32, #tpu.memory_space<vmem_shared>>
      %dma_wait3A_51 = arith.constant 0 : i32
      %dma_wait3A_52 = tpu.memref_slice %arg5[%mul3A_2, %dma_wait3A_51] : memref<10112x128xf32, #tpu.memory_space<hbm>> -> memref<632x128xf32, #tpu.memory_space<hbm>>
      tpu.wait_dma2 semaphore(%run_scoped3A : memref<!tpu.dma_semaphore, #tpu.memory_space<semaphore_mem>>) src(%dma_wait3A_52 : memref<632x128xf32, #tpu.memory_space<hbm>>) dst(%dma_wait3A_50 : memref<632x128xf32, #tpu.memory_space<vmem_shared>>)
      tpu.yield
    }) : () -> ()
    %barrier3A = arith.constant 0 : index
    tpu.barrier barrier_id(%barrier3A)
    "tpu.region"() ({
      %run_scoped3A = tpu.sem_alloc : memref<!tpu.dma_semaphore, #tpu.memory_space<semaphore_mem>>
      %dma_start3A_46 = arith.constant 0 : i32
      %dma_start3A_47 = arith.constant 0 : i32
      %dma_start3A_48 = tpu.memref_slice %arg3[%add3A, %dma_start3A_46, %dma_start3A_47] : memref<32x80x128xi32, #tpu.memory_space<hbm>> -> memref<1x40x128xi32, #tpu.memory_space<hbm>>
      %dma_start3A_49 = tpu.memref_squeeze %dma_start3A_48 : memref<1x40x128xi32, #tpu.memory_space<hbm>> -> memref<40x128xi32, #tpu.memory_space<hbm>>
      %dma_start3A_50 = arith.constant 0 : i32
      %dma_start3A_51 = arith.constant 0 : i32
      %dma_start3A_52 = tpu.memref_slice %arg3[%add3A, %dma_start3A_50, %dma_start3A_51] : memref<32x80x128xi32, #tpu.memory_space<hbm>> -> memref<1x40x128xi32, #tpu.memory_space<hbm>>
      %dma_start3A_53 = tpu.memref_squeeze %dma_start3A_52 : memref<1x40x128xi32, #tpu.memory_space<hbm>> -> memref<40x128xi32, #tpu.memory_space<hbm>>
      tpu.enqueue_dma source(%dma_start3A_53 : memref<40x128xi32, #tpu.memory_space<hbm>>) target(%arg7 : memref<40x128xi32, #tpu.memory_space<vmem>>) target_semaphore(%run_scoped3A : memref<!tpu.dma_semaphore, #tpu.memory_space<semaphore_mem>>)
      %dma_wait3A = arith.constant 0 : i32
      %dma_wait3A_54 = arith.constant 0 : i32
      %dma_wait3A_55 = tpu.memref_slice %arg3[%add3A, %dma_wait3A, %dma_wait3A_54] : memref<32x80x128xi32, #tpu.memory_space<hbm>> -> memref<1x40x128xi32, #tpu.memory_space<hbm>>
      %dma_wait3A_56 = tpu.memref_squeeze %dma_wait3A_55 : memref<1x40x128xi32, #tpu.memory_space<hbm>> -> memref<40x128xi32, #tpu.memory_space<hbm>>
      %dma_wait3A_57 = arith.constant 0 : i32
      %dma_wait3A_58 = arith.constant 0 : i32
      %dma_wait3A_59 = tpu.memref_slice %arg3[%add3A, %dma_wait3A_57, %dma_wait3A_58] : memref<32x80x128xi32, #tpu.memory_space<hbm>> -> memref<1x40x128xi32, #tpu.memory_space<hbm>>
      %dma_wait3A_60 = tpu.memref_squeeze %dma_wait3A_59 : memref<1x40x128xi32, #tpu.memory_space<hbm>> -> memref<40x128xi32, #tpu.memory_space<hbm>>
      tpu.wait_dma2 semaphore(%run_scoped3A : memref<!tpu.dma_semaphore, #tpu.memory_space<semaphore_mem>>) src(%dma_wait3A_60 : memref<40x128xi32, #tpu.memory_space<hbm>>) dst(%arg7 : memref<40x128xi32, #tpu.memory_space<vmem>>)
      tpu.yield
    }) : () -> ()
    "tpu.region"() ({
      %run_scoped3A = tpu.sem_alloc : memref<!tpu.dma_semaphore, #tpu.memory_space<semaphore_mem>>
      %dma_start3A_46 = arith.constant 0 : i32
      %dma_start3A_47 = arith.constant 0 : i32
      %dma_start3A_48 = tpu.memref_slice %arg4[%add3A, %dma_start3A_46, %dma_start3A_47] : memref<32x80x128xi32, #tpu.memory_space<hbm>> -> memref<1x40x128xi32, #tpu.memory_space<hbm>>
      %dma_start3A_49 = tpu.memref_squeeze %dma_start3A_48 : memref<1x40x128xi32, #tpu.memory_space<hbm>> -> memref<40x128xi32, #tpu.memory_space<hbm>>
      %dma_start3A_50 = arith.constant 0 : i32
      %dma_start3A_51 = arith.constant 0 : i32
      %dma_start3A_52 = tpu.memref_slice %arg4[%add3A, %dma_start3A_50, %dma_start3A_51] : memref<32x80x128xi32, #tpu.memory_space<hbm>> -> memref<1x40x128xi32, #tpu.memory_space<hbm>>
      %dma_start3A_53 = tpu.memref_squeeze %dma_start3A_52 : memref<1x40x128xi32, #tpu.memory_space<hbm>> -> memref<40x128xi32, #tpu.memory_space<hbm>>
      tpu.enqueue_dma source(%dma_start3A_53 : memref<40x128xi32, #tpu.memory_space<hbm>>) target(%arg8 : memref<40x128xi32, #tpu.memory_space<vmem>>) target_semaphore(%run_scoped3A : memref<!tpu.dma_semaphore, #tpu.memory_space<semaphore_mem>>)
      %dma_wait3A = arith.constant 0 : i32
      %dma_wait3A_54 = arith.constant 0 : i32
      %dma_wait3A_55 = tpu.memref_slice %arg4[%add3A, %dma_wait3A, %dma_wait3A_54] : memref<32x80x128xi32, #tpu.memory_space<hbm>> -> memref<1x40x128xi32, #tpu.memory_space<hbm>>
      %dma_wait3A_56 = tpu.memref_squeeze %dma_wait3A_55 : memref<1x40x128xi32, #tpu.memory_space<hbm>> -> memref<40x128xi32, #tpu.memory_space<hbm>>
      %dma_wait3A_57 = arith.constant 0 : i32
      %dma_wait3A_58 = arith.constant 0 : i32
      %dma_wait3A_59 = tpu.memref_slice %arg4[%add3A, %dma_wait3A_57, %dma_wait3A_58] : memref<32x80x128xi32, #tpu.memory_space<hbm>> -> memref<1x40x128xi32, #tpu.memory_space<hbm>>
      %dma_wait3A_60 = tpu.memref_squeeze %dma_wait3A_59 : memref<1x40x128xi32, #tpu.memory_space<hbm>> -> memref<40x128xi32, #tpu.memory_space<hbm>>
      tpu.wait_dma2 semaphore(%run_scoped3A : memref<!tpu.dma_semaphore, #tpu.memory_space<semaphore_mem>>) src(%dma_wait3A_60 : memref<40x128xi32, #tpu.memory_space<hbm>>) dst(%arg8 : memref<40x128xi32, #tpu.memory_space<vmem>>)
      tpu.yield
    }) : () -> ()
    %dma_start3A = arith.constant 0 : i32
    %dma_start3A_5 = arith.constant 0 : i32
    %dma_start3A_6 = tpu.memref_slice %arg7[%dma_start3A, %dma_start3A_5] : memref<40x128xi32, #tpu.memory_space<vmem>> -> memref<1x128xi32, #tpu.memory_space<vmem>>
    %dma_start3A_7 = tpu.memref_squeeze %dma_start3A_6 : memref<1x128xi32, #tpu.memory_space<vmem>> -> memref<128xi32, #tpu.memory_space<vmem>>
    %dma_start3A_8 = arith.constant 0 : i32
    %dma_start3A_9 = arith.constant 0 : i32
    %dma_start3A_10 = tpu.memref_slice %arg2[%dma_start3A_8, %dma_start3A_9] : memref<10000x128xf32, #tpu.memory_space<hbm>> -> memref<10000x128xf32, #tpu.memory_space<hbm>>
    tpu.enqueue_indirect_dma source(%dma_start3A_10 : memref<10000x128xf32, #tpu.memory_space<hbm>>) target(%arg9 : memref<128x128xf32, #tpu.memory_space<vmem>>) offsets(%dma_start3A_7 : memref<128xi32, #tpu.memory_space<vmem>>) semaphore(%arg12 : memref<!tpu.dma_semaphore, #tpu.memory_space<semaphore_mem>>)
    %dma_start3A_11 = arith.constant 1 : i32
    %dma_start3A_12 = arith.constant 0 : i32
    %dma_start3A_13 = tpu.memref_slice %arg7[%dma_start3A_11, %dma_start3A_12] : memref<40x128xi32, #tpu.memory_space<vmem>> -> memref<1x128xi32, #tpu.memory_space<vmem>>
    %dma_start3A_14 = tpu.memref_squeeze %dma_start3A_13 : memref<1x128xi32, #tpu.memory_space<vmem>> -> memref<128xi32, #tpu.memory_space<vmem>>
    %dma_start3A_15 = arith.constant 0 : i32
    %dma_start3A_16 = arith.constant 0 : i32
    %dma_start3A_17 = tpu.memref_slice %arg2[%dma_start3A_15, %dma_start3A_16] : memref<10000x128xf32, #tpu.memory_space<hbm>> -> memref<10000x128xf32, #tpu.memory_space<hbm>>
    tpu.enqueue_indirect_dma source(%dma_start3A_17 : memref<10000x128xf32, #tpu.memory_space<hbm>>) target(%arg10 : memref<128x128xf32, #tpu.memory_space<vmem>>) offsets(%dma_start3A_14 : memref<128xi32, #tpu.memory_space<vmem>>) semaphore(%arg13 : memref<!tpu.dma_semaphore, #tpu.memory_space<semaphore_mem>>)
    %scan3A = arith.constant 0 : i32
    %scan3A_18 = arith.constant 20 : i32
    %scan3A_19 = arith.addi %scan3A, %scan3A_18 : i32
    %scan3A_20 = arith.constant 1 : i32
    scf.for %scan3A_46 = %scan3A to %scan3A_19 step %scan3A_20  : i32 {
      %mul3A_47 = arith.constant 2 : i32
      %mul3A_48 = arith.muli %scan3A_46, %mul3A_47 : i32
      %add3A_49 = arith.constant 0 : i32
      %add3A_50 = arith.addi %add3A_49, %mul3A_48 : i32
      %add3A_51 = arith.constant 0 : i32
      %add3A_52 = arith.addi %add3A_50, %add3A_51 : i32
      %dma_wait3A = arith.constant 0 : i32
      %dma_wait3A_53 = tpu.memref_slice %arg7[%add3A_52, %dma_wait3A] : memref<40x128xi32, #tpu.memory_space<vmem>> -> memref<1x128xi32, #tpu.memory_space<vmem>>
      %dma_wait3A_54 = tpu.memref_squeeze %dma_wait3A_53 : memref<1x128xi32, #tpu.memory_space<vmem>> -> memref<128xi32, #tpu.memory_space<vmem>>
      %dma_wait3A_55 = arith.constant 0 : i32
      %dma_wait3A_56 = arith.constant 0 : i32
      %dma_wait3A_57 = tpu.memref_slice %arg2[%dma_wait3A_55, %dma_wait3A_56] : memref<10000x128xf32, #tpu.memory_space<hbm>> -> memref<10000x128xf32, #tpu.memory_space<hbm>>
      tpu.wait_indirect_dma semaphore(%arg12 : memref<!tpu.dma_semaphore, #tpu.memory_space<semaphore_mem>>) src(%dma_wait3A_57 : memref<10000x128xf32, #tpu.memory_space<hbm>>) dst(%arg9 : memref<128x128xf32, #tpu.memory_space<vmem>>)
      "tpu.region"() ({
        %run_scoped3A = tpu.sem_alloc : memref<!tpu.dma_semaphore, #tpu.memory_space<semaphore_mem>>
        %dma_start3A_77 = arith.constant 0 : i32
        %dma_start3A_78 = tpu.memref_slice %arg8[%add3A_52, %dma_start3A_77] : memref<40x128xi32, #tpu.memory_space<vmem>> -> memref<1x128xi32, #tpu.memory_space<vmem>>
        %dma_start3A_79 = tpu.memref_squeeze %dma_start3A_78 : memref<1x128xi32, #tpu.memory_space<vmem>> -> memref<128xi32, #tpu.memory_space<vmem>>
        %dma_start3A_80 = arith.constant 0 : i32
        %dma_start3A_81 = arith.constant 0 : i32
        %dma_start3A_82 = tpu.memref_slice %arg11[%dma_start3A_80, %dma_start3A_81] : memref<10112x128xf32, #tpu.memory_space<vmem_shared>> -> memref<10112x128xf32, #tpu.memory_space<vmem_shared>>
        tpu.enqueue_indirect_dma source(%arg9 : memref<128x128xf32, #tpu.memory_space<vmem>>) target(%dma_start3A_82 : memref<10112x128xf32, #tpu.memory_space<vmem_shared>>) offsets(%dma_start3A_79 : memref<128xi32, #tpu.memory_space<vmem>>) semaphore(%run_scoped3A : memref<!tpu.dma_semaphore, #tpu.memory_space<semaphore_mem>>) {add = true}
        %dma_wait3A_83 = arith.constant 0 : i32
        %dma_wait3A_84 = tpu.memref_slice %arg8[%add3A_52, %dma_wait3A_83] : memref<40x128xi32, #tpu.memory_space<vmem>> -> memref<1x128xi32, #tpu.memory_space<vmem>>
        %dma_wait3A_85 = tpu.memref_squeeze %dma_wait3A_84 : memref<1x128xi32, #tpu.memory_space<vmem>> -> memref<128xi32, #tpu.memory_space<vmem>>
        %dma_wait3A_86 = arith.constant 0 : i32
        %dma_wait3A_87 = arith.constant 0 : i32
        %dma_wait3A_88 = tpu.memref_slice %arg11[%dma_wait3A_86, %dma_wait3A_87] : memref<10112x128xf32, #tpu.memory_space<vmem_shared>> -> memref<10112x128xf32, #tpu.memory_space<vmem_shared>>
        tpu.wait_indirect_dma semaphore(%run_scoped3A : memref<!tpu.dma_semaphore, #tpu.memory_space<semaphore_mem>>) src(%arg9 : memref<128x128xf32, #tpu.memory_space<vmem>>) dst(%dma_wait3A_88 : memref<10112x128xf32, #tpu.memory_space<vmem_shared>>)
        tpu.yield
      }) : () -> ()
      %add3A_58 = arith.constant 2 : i32
      %add3A_59 = arith.addi %add3A_52, %add3A_58 : i32
      %lt3A = arith.constant 40 : i32
      %lt3A_60 = arith.cmpi slt, %add3A_59, %lt3A : i32
      %convert_element_type3A = arith.extui %lt3A_60 : i1 to i32
      %cond3A = arith.constant 0 : i32
      %cond3A_61 = arith.cmpi ne, %convert_element_type3A, %cond3A : i32
      scf.if %cond3A_61 {
        %add3A_77 = arith.constant 2 : i32
        %add3A_78 = arith.addi %add3A_52, %add3A_77 : i32
        %dma_start3A_79 = arith.constant 0 : i32
        %dma_start3A_80 = tpu.memref_slice %arg7[%add3A_78, %dma_start3A_79] : memref<40x128xi32, #tpu.memory_space<vmem>> -> memref<1x128xi32, #tpu.memory_space<vmem>>
        %dma_start3A_81 = tpu.memref_squeeze %dma_start3A_80 : memref<1x128xi32, #tpu.memory_space<vmem>> -> memref<128xi32, #tpu.memory_space<vmem>>
        %dma_start3A_82 = arith.constant 0 : i32
        %dma_start3A_83 = arith.constant 0 : i32
        %dma_start3A_84 = tpu.memref_slice %arg2[%dma_start3A_82, %dma_start3A_83] : memref<10000x128xf32, #tpu.memory_space<hbm>> -> memref<10000x128xf32, #tpu.memory_space<hbm>>
        tpu.enqueue_indirect_dma source(%dma_start3A_84 : memref<10000x128xf32, #tpu.memory_space<hbm>>) target(%arg9 : memref<128x128xf32, #tpu.memory_space<vmem>>) offsets(%dma_start3A_81 : memref<128xi32, #tpu.memory_space<vmem>>) semaphore(%arg12 : memref<!tpu.dma_semaphore, #tpu.memory_space<semaphore_mem>>)
      } else {
      }
      %add3A_62 = arith.constant 1 : i32
      %add3A_63 = arith.addi %add3A_50, %add3A_62 : i32
      %dma_wait3A_64 = arith.constant 0 : i32
      %dma_wait3A_65 = tpu.memref_slice %arg7[%add3A_63, %dma_wait3A_64] : memref<40x128xi32, #tpu.memory_space<vmem>> -> memref<1x128xi32, #tpu.memory_space<vmem>>
      %dma_wait3A_66 = tpu.memref_squeeze %dma_wait3A_65 : memref<1x128xi32, #tpu.memory_space<vmem>> -> memref<128xi32, #tpu.memory_space<vmem>>
      %dma_wait3A_67 = arith.constant 0 : i32
      %dma_wait3A_68 = arith.constant 0 : i32
      %dma_wait3A_69 = tpu.memref_slice %arg2[%dma_wait3A_67, %dma_wait3A_68] : memref<10000x128xf32, #tpu.memory_space<hbm>> -> memref<10000x128xf32, #tpu.memory_space<hbm>>
      tpu.wait_indirect_dma semaphore(%arg13 : memref<!tpu.dma_semaphore, #tpu.memory_space<semaphore_mem>>) src(%dma_wait3A_69 : memref<10000x128xf32, #tpu.memory_space<hbm>>) dst(%arg10 : memref<128x128xf32, #tpu.memory_space<vmem>>)
      "tpu.region"() ({
        %run_scoped3A = tpu.sem_alloc : memref<!tpu.dma_semaphore, #tpu.memory_space<semaphore_mem>>
        %dma_start3A_77 = arith.constant 0 : i32
        %dma_start3A_78 = tpu.memref_slice %arg8[%add3A_63, %dma_start3A_77] : memref<40x128xi32, #tpu.memory_space<vmem>> -> memref<1x128xi32, #tpu.memory_space<vmem>>
        %dma_start3A_79 = tpu.memref_squeeze %dma_start3A_78 : memref<1x128xi32, #tpu.memory_space<vmem>> -> memref<128xi32, #tpu.memory_space<vmem>>
        %dma_start3A_80 = arith.constant 0 : i32
        %dma_start3A_81 = arith.constant 0 : i32
        %dma_start3A_82 = tpu.memref_slice %arg11[%dma_start3A_80, %dma_start3A_81] : memref<10112x128xf32, #tpu.memory_space<vmem_shared>> -> memref<10112x128xf32, #tpu.memory_space<vmem_shared>>
        tpu.enqueue_indirect_dma source(%arg10 : memref<128x128xf32, #tpu.memory_space<vmem>>) target(%dma_start3A_82 : memref<10112x128xf32, #tpu.memory_space<vmem_shared>>) offsets(%dma_start3A_79 : memref<128xi32, #tpu.memory_space<vmem>>) semaphore(%run_scoped3A : memref<!tpu.dma_semaphore, #tpu.memory_space<semaphore_mem>>) {add = true}
        %dma_wait3A_83 = arith.constant 0 : i32
        %dma_wait3A_84 = tpu.memref_slice %arg8[%add3A_63, %dma_wait3A_83] : memref<40x128xi32, #tpu.memory_space<vmem>> -> memref<1x128xi32, #tpu.memory_space<vmem>>
        %dma_wait3A_85 = tpu.memref_squeeze %dma_wait3A_84 : memref<1x128xi32, #tpu.memory_space<vmem>> -> memref<128xi32, #tpu.memory_space<vmem>>
        %dma_wait3A_86 = arith.constant 0 : i32
        %dma_wait3A_87 = arith.constant 0 : i32
        %dma_wait3A_88 = tpu.memref_slice %arg11[%dma_wait3A_86, %dma_wait3A_87] : memref<10112x128xf32, #tpu.memory_space<vmem_shared>> -> memref<10112x128xf32, #tpu.memory_space<vmem_shared>>
        tpu.wait_indirect_dma semaphore(%run_scoped3A : memref<!tpu.dma_semaphore, #tpu.memory_space<semaphore_mem>>) src(%arg10 : memref<128x128xf32, #tpu.memory_space<vmem>>) dst(%dma_wait3A_88 : memref<10112x128xf32, #tpu.memory_space<vmem_shared>>)
        tpu.yield
      }) : () -> ()
      %add3A_70 = arith.constant 2 : i32
      %add3A_71 = arith.addi %add3A_63, %add3A_70 : i32
      %lt3A_72 = arith.constant 40 : i32
      %lt3A_73 = arith.cmpi slt, %add3A_71, %lt3A_72 : i32
      %convert_element_type3A_74 = arith.extui %lt3A_73 : i1 to i32
      %cond3A_75 = arith.constant 0 : i32
      %cond3A_76 = arith.cmpi ne, %convert_element_type3A_74, %cond3A_75 : i32
      scf.if %cond3A_76 {
        %add3A_77 = arith.constant 2 : i32
        %add3A_78 = arith.addi %add3A_63, %add3A_77 : i32
        %dma_start3A_79 = arith.constant 0 : i32
        %dma_start3A_80 = tpu.memref_slice %arg7[%add3A_78, %dma_start3A_79] : memref<40x128xi32, #tpu.memory_space<vmem>> -> memref<1x128xi32, #tpu.memory_space<vmem>>
        %dma_start3A_81 = tpu.memref_squeeze %dma_start3A_80 : memref<1x128xi32, #tpu.memory_space<vmem>> -> memref<128xi32, #tpu.memory_space<vmem>>
        %dma_start3A_82 = arith.constant 0 : i32
        %dma_start3A_83 = arith.constant 0 : i32
        %dma_start3A_84 = tpu.memref_slice %arg2[%dma_start3A_82, %dma_start3A_83] : memref<10000x128xf32, #tpu.memory_space<hbm>> -> memref<10000x128xf32, #tpu.memory_space<hbm>>
        tpu.enqueue_indirect_dma source(%dma_start3A_84 : memref<10000x128xf32, #tpu.memory_space<hbm>>) target(%arg10 : memref<128x128xf32, #tpu.memory_space<vmem>>) offsets(%dma_start3A_81 : memref<128xi32, #tpu.memory_space<vmem>>) semaphore(%arg13 : memref<!tpu.dma_semaphore, #tpu.memory_space<semaphore_mem>>)
      } else {
      }
    }
    %scan3A_21 = arith.constant 20 : i32
    "tpu.region"() ({
      %run_scoped3A = tpu.sem_alloc : memref<!tpu.dma_semaphore, #tpu.memory_space<semaphore_mem>>
      %dma_start3A_46 = arith.constant 40 : i32
      %dma_start3A_47 = arith.constant 0 : i32
      %dma_start3A_48 = tpu.memref_slice %arg3[%add3A, %dma_start3A_46, %dma_start3A_47] : memref<32x80x128xi32, #tpu.memory_space<hbm>> -> memref<1x40x128xi32, #tpu.memory_space<hbm>>
      %dma_start3A_49 = tpu.memref_squeeze %dma_start3A_48 : memref<1x40x128xi32, #tpu.memory_space<hbm>> -> memref<40x128xi32, #tpu.memory_space<hbm>>
      %dma_start3A_50 = arith.constant 40 : i32
      %dma_start3A_51 = arith.constant 0 : i32
      %dma_start3A_52 = tpu.memref_slice %arg3[%add3A, %dma_start3A_50, %dma_start3A_51] : memref<32x80x128xi32, #tpu.memory_space<hbm>> -> memref<1x40x128xi32, #tpu.memory_space<hbm>>
      %dma_start3A_53 = tpu.memref_squeeze %dma_start3A_52 : memref<1x40x128xi32, #tpu.memory_space<hbm>> -> memref<40x128xi32, #tpu.memory_space<hbm>>
      tpu.enqueue_dma source(%dma_start3A_53 : memref<40x128xi32, #tpu.memory_space<hbm>>) target(%arg7 : memref<40x128xi32, #tpu.memory_space<vmem>>) target_semaphore(%run_scoped3A : memref<!tpu.dma_semaphore, #tpu.memory_space<semaphore_mem>>)
      %dma_wait3A = arith.constant 40 : i32
      %dma_wait3A_54 = arith.constant 0 : i32
      %dma_wait3A_55 = tpu.memref_slice %arg3[%add3A, %dma_wait3A, %dma_wait3A_54] : memref<32x80x128xi32, #tpu.memory_space<hbm>> -> memref<1x40x128xi32, #tpu.memory_space<hbm>>
      %dma_wait3A_56 = tpu.memref_squeeze %dma_wait3A_55 : memref<1x40x128xi32, #tpu.memory_space<hbm>> -> memref<40x128xi32, #tpu.memory_space<hbm>>
      %dma_wait3A_57 = arith.constant 40 : i32
      %dma_wait3A_58 = arith.constant 0 : i32
      %dma_wait3A_59 = tpu.memref_slice %arg3[%add3A, %dma_wait3A_57, %dma_wait3A_58] : memref<32x80x128xi32, #tpu.memory_space<hbm>> -> memref<1x40x128xi32, #tpu.memory_space<hbm>>
      %dma_wait3A_60 = tpu.memref_squeeze %dma_wait3A_59 : memref<1x40x128xi32, #tpu.memory_space<hbm>> -> memref<40x128xi32, #tpu.memory_space<hbm>>
      tpu.wait_dma2 semaphore(%run_scoped3A : memref<!tpu.dma_semaphore, #tpu.memory_space<semaphore_mem>>) src(%dma_wait3A_60 : memref<40x128xi32, #tpu.memory_space<hbm>>) dst(%arg7 : memref<40x128xi32, #tpu.memory_space<vmem>>)
      tpu.yield
    }) : () -> ()
    "tpu.region"() ({
      %run_scoped3A = tpu.sem_alloc : memref<!tpu.dma_semaphore, #tpu.memory_space<semaphore_mem>>
      %dma_start3A_46 = arith.constant 40 : i32
      %dma_start3A_47 = arith.constant 0 : i32
      %dma_start3A_48 = tpu.memref_slice %arg4[%add3A, %dma_start3A_46, %dma_start3A_47] : memref<32x80x128xi32, #tpu.memory_space<hbm>> -> memref<1x40x128xi32, #tpu.memory_space<hbm>>
      %dma_start3A_49 = tpu.memref_squeeze %dma_start3A_48 : memref<1x40x128xi32, #tpu.memory_space<hbm>> -> memref<40x128xi32, #tpu.memory_space<hbm>>
      %dma_start3A_50 = arith.constant 40 : i32
      %dma_start3A_51 = arith.constant 0 : i32
      %dma_start3A_52 = tpu.memref_slice %arg4[%add3A, %dma_start3A_50, %dma_start3A_51] : memref<32x80x128xi32, #tpu.memory_space<hbm>> -> memref<1x40x128xi32, #tpu.memory_space<hbm>>
      %dma_start3A_53 = tpu.memref_squeeze %dma_start3A_52 : memref<1x40x128xi32, #tpu.memory_space<hbm>> -> memref<40x128xi32, #tpu.memory_space<hbm>>
      tpu.enqueue_dma source(%dma_start3A_53 : memref<40x128xi32, #tpu.memory_space<hbm>>) target(%arg8 : memref<40x128xi32, #tpu.memory_space<vmem>>) target_semaphore(%run_scoped3A : memref<!tpu.dma_semaphore, #tpu.memory_space<semaphore_mem>>)
      %dma_wait3A = arith.constant 40 : i32
      %dma_wait3A_54 = arith.constant 0 : i32
      %dma_wait3A_55 = tpu.memref_slice %arg4[%add3A, %dma_wait3A, %dma_wait3A_54] : memref<32x80x128xi32, #tpu.memory_space<hbm>> -> memref<1x40x128xi32, #tpu.memory_space<hbm>>
      %dma_wait3A_56 = tpu.memref_squeeze %dma_wait3A_55 : memref<1x40x128xi32, #tpu.memory_space<hbm>> -> memref<40x128xi32, #tpu.memory_space<hbm>>
      %dma_wait3A_57 = arith.constant 40 : i32
      %dma_wait3A_58 = arith.constant 0 : i32
      %dma_wait3A_59 = tpu.memref_slice %arg4[%add3A, %dma_wait3A_57, %dma_wait3A_58] : memref<32x80x128xi32, #tpu.memory_space<hbm>> -> memref<1x40x128xi32, #tpu.memory_space<hbm>>
      %dma_wait3A_60 = tpu.memref_squeeze %dma_wait3A_59 : memref<1x40x128xi32, #tpu.memory_space<hbm>> -> memref<40x128xi32, #tpu.memory_space<hbm>>
      tpu.wait_dma2 semaphore(%run_scoped3A : memref<!tpu.dma_semaphore, #tpu.memory_space<semaphore_mem>>) src(%dma_wait3A_60 : memref<40x128xi32, #tpu.memory_space<hbm>>) dst(%arg8 : memref<40x128xi32, #tpu.memory_space<vmem>>)
      tpu.yield
    }) : () -> ()
    %dma_start3A_22 = arith.constant 0 : i32
    %dma_start3A_23 = arith.constant 0 : i32
    %dma_start3A_24 = tpu.memref_slice %arg7[%dma_start3A_22, %dma_start3A_23] : memref<40x128xi32, #tpu.memory_space<vmem>> -> memref<1x128xi32, #tpu.memory_space<vmem>>
    %dma_start3A_25 = tpu.memref_squeeze %dma_start3A_24 : memref<1x128xi32, #tpu.memory_space<vmem>> -> memref<128xi32, #tpu.memory_space<vmem>>
    %dma_start3A_26 = arith.constant 0 : i32
    %dma_start3A_27 = arith.constant 0 : i32
    %dma_start3A_28 = tpu.memref_slice %arg2[%dma_start3A_26, %dma_start3A_27] : memref<10000x128xf32, #tpu.memory_space<hbm>> -> memref<10000x128xf32, #tpu.memory_space<hbm>>
    tpu.enqueue_indirect_dma source(%dma_start3A_28 : memref<10000x128xf32, #tpu.memory_space<hbm>>) target(%arg9 : memref<128x128xf32, #tpu.memory_space<vmem>>) offsets(%dma_start3A_25 : memref<128xi32, #tpu.memory_space<vmem>>) semaphore(%arg12 : memref<!tpu.dma_semaphore, #tpu.memory_space<semaphore_mem>>)
    %dma_start3A_29 = arith.constant 1 : i32
    %dma_start3A_30 = arith.constant 0 : i32
    %dma_start3A_31 = tpu.memref_slice %arg7[%dma_start3A_29, %dma_start3A_30] : memref<40x128xi32, #tpu.memory_space<vmem>> -> memref<1x128xi32, #tpu.memory_space<vmem>>
    %dma_start3A_32 = tpu.memref_squeeze %dma_start3A_31 : memref<1x128xi32, #tpu.memory_space<vmem>> -> memref<128xi32, #tpu.memory_space<vmem>>
    %dma_start3A_33 = arith.constant 0 : i32
    %dma_start3A_34 = arith.constant 0 : i32
    %dma_start3A_35 = tpu.memref_slice %arg2[%dma_start3A_33, %dma_start3A_34] : memref<10000x128xf32, #tpu.memory_space<hbm>> -> memref<10000x128xf32, #tpu.memory_space<hbm>>
    tpu.enqueue_indirect_dma source(%dma_start3A_35 : memref<10000x128xf32, #tpu.memory_space<hbm>>) target(%arg10 : memref<128x128xf32, #tpu.memory_space<vmem>>) offsets(%dma_start3A_32 : memref<128xi32, #tpu.memory_space<vmem>>) semaphore(%arg13 : memref<!tpu.dma_semaphore, #tpu.memory_space<semaphore_mem>>)
    %scan3A_36 = arith.constant 0 : i32
    %scan3A_37 = arith.constant 20 : i32
    %scan3A_38 = arith.addi %scan3A_36, %scan3A_37 : i32
    %scan3A_39 = arith.constant 1 : i32
    scf.for %scan3A_46 = %scan3A_36 to %scan3A_38 step %scan3A_39  : i32 {
      %mul3A_47 = arith.constant 2 : i32
      %mul3A_48 = arith.muli %scan3A_46, %mul3A_47 : i32
      %add3A_49 = arith.constant 0 : i32
      %add3A_50 = arith.addi %add3A_49, %mul3A_48 : i32
      %add3A_51 = arith.constant 0 : i32
      %add3A_52 = arith.addi %add3A_50, %add3A_51 : i32
      %dma_wait3A = arith.constant 0 : i32
      %dma_wait3A_53 = tpu.memref_slice %arg7[%add3A_52, %dma_wait3A] : memref<40x128xi32, #tpu.memory_space<vmem>> -> memref<1x128xi32, #tpu.memory_space<vmem>>
      %dma_wait3A_54 = tpu.memref_squeeze %dma_wait3A_53 : memref<1x128xi32, #tpu.memory_space<vmem>> -> memref<128xi32, #tpu.memory_space<vmem>>
      %dma_wait3A_55 = arith.constant 0 : i32
      %dma_wait3A_56 = arith.constant 0 : i32
      %dma_wait3A_57 = tpu.memref_slice %arg2[%dma_wait3A_55, %dma_wait3A_56] : memref<10000x128xf32, #tpu.memory_space<hbm>> -> memref<10000x128xf32, #tpu.memory_space<hbm>>
      tpu.wait_indirect_dma semaphore(%arg12 : memref<!tpu.dma_semaphore, #tpu.memory_space<semaphore_mem>>) src(%dma_wait3A_57 : memref<10000x128xf32, #tpu.memory_space<hbm>>) dst(%arg9 : memref<128x128xf32, #tpu.memory_space<vmem>>)
      "tpu.region"() ({
        %run_scoped3A = tpu.sem_alloc : memref<!tpu.dma_semaphore, #tpu.memory_space<semaphore_mem>>
        %dma_start3A_77 = arith.constant 0 : i32
        %dma_start3A_78 = tpu.memref_slice %arg8[%add3A_52, %dma_start3A_77] : memref<40x128xi32, #tpu.memory_space<vmem>> -> memref<1x128xi32, #tpu.memory_space<vmem>>
        %dma_start3A_79 = tpu.memref_squeeze %dma_start3A_78 : memref<1x128xi32, #tpu.memory_space<vmem>> -> memref<128xi32, #tpu.memory_space<vmem>>
        %dma_start3A_80 = arith.constant 0 : i32
        %dma_start3A_81 = arith.constant 0 : i32
        %dma_start3A_82 = tpu.memref_slice %arg11[%dma_start3A_80, %dma_start3A_81] : memref<10112x128xf32, #tpu.memory_space<vmem_shared>> -> memref<10112x128xf32, #tpu.memory_space<vmem_shared>>
        tpu.enqueue_indirect_dma source(%arg9 : memref<128x128xf32, #tpu.memory_space<vmem>>) target(%dma_start3A_82 : memref<10112x128xf32, #tpu.memory_space<vmem_shared>>) offsets(%dma_start3A_79 : memref<128xi32, #tpu.memory_space<vmem>>) semaphore(%run_scoped3A : memref<!tpu.dma_semaphore, #tpu.memory_space<semaphore_mem>>) {add = true}
        %dma_wait3A_83 = arith.constant 0 : i32
        %dma_wait3A_84 = tpu.memref_slice %arg8[%add3A_52, %dma_wait3A_83] : memref<40x128xi32, #tpu.memory_space<vmem>> -> memref<1x128xi32, #tpu.memory_space<vmem>>
        %dma_wait3A_85 = tpu.memref_squeeze %dma_wait3A_84 : memref<1x128xi32, #tpu.memory_space<vmem>> -> memref<128xi32, #tpu.memory_space<vmem>>
        %dma_wait3A_86 = arith.constant 0 : i32
        %dma_wait3A_87 = arith.constant 0 : i32
        %dma_wait3A_88 = tpu.memref_slice %arg11[%dma_wait3A_86, %dma_wait3A_87] : memref<10112x128xf32, #tpu.memory_space<vmem_shared>> -> memref<10112x128xf32, #tpu.memory_space<vmem_shared>>
        tpu.wait_indirect_dma semaphore(%run_scoped3A : memref<!tpu.dma_semaphore, #tpu.memory_space<semaphore_mem>>) src(%arg9 : memref<128x128xf32, #tpu.memory_space<vmem>>) dst(%dma_wait3A_88 : memref<10112x128xf32, #tpu.memory_space<vmem_shared>>)
        tpu.yield
      }) : () -> ()
      %add3A_58 = arith.constant 2 : i32
      %add3A_59 = arith.addi %add3A_52, %add3A_58 : i32
      %lt3A = arith.constant 40 : i32
      %lt3A_60 = arith.cmpi slt, %add3A_59, %lt3A : i32
      %convert_element_type3A = arith.extui %lt3A_60 : i1 to i32
      %cond3A = arith.constant 0 : i32
      %cond3A_61 = arith.cmpi ne, %convert_element_type3A, %cond3A : i32
      scf.if %cond3A_61 {
        %add3A_77 = arith.constant 2 : i32
        %add3A_78 = arith.addi %add3A_52, %add3A_77 : i32
        %dma_start3A_79 = arith.constant 0 : i32
        %dma_start3A_80 = tpu.memref_slice %arg7[%add3A_78, %dma_start3A_79] : memref<40x128xi32, #tpu.memory_space<vmem>> -> memref<1x128xi32, #tpu.memory_space<vmem>>
        %dma_start3A_81 = tpu.memref_squeeze %dma_start3A_80 : memref<1x128xi32, #tpu.memory_space<vmem>> -> memref<128xi32, #tpu.memory_space<vmem>>
        %dma_start3A_82 = arith.constant 0 : i32
        %dma_start3A_83 = arith.constant 0 : i32
        %dma_start3A_84 = tpu.memref_slice %arg2[%dma_start3A_82, %dma_start3A_83] : memref<10000x128xf32, #tpu.memory_space<hbm>> -> memref<10000x128xf32, #tpu.memory_space<hbm>>
        tpu.enqueue_indirect_dma source(%dma_start3A_84 : memref<10000x128xf32, #tpu.memory_space<hbm>>) target(%arg9 : memref<128x128xf32, #tpu.memory_space<vmem>>) offsets(%dma_start3A_81 : memref<128xi32, #tpu.memory_space<vmem>>) semaphore(%arg12 : memref<!tpu.dma_semaphore, #tpu.memory_space<semaphore_mem>>)
      } else {
      }
      %add3A_62 = arith.constant 1 : i32
      %add3A_63 = arith.addi %add3A_50, %add3A_62 : i32
      %dma_wait3A_64 = arith.constant 0 : i32
      %dma_wait3A_65 = tpu.memref_slice %arg7[%add3A_63, %dma_wait3A_64] : memref<40x128xi32, #tpu.memory_space<vmem>> -> memref<1x128xi32, #tpu.memory_space<vmem>>
      %dma_wait3A_66 = tpu.memref_squeeze %dma_wait3A_65 : memref<1x128xi32, #tpu.memory_space<vmem>> -> memref<128xi32, #tpu.memory_space<vmem>>
      %dma_wait3A_67 = arith.constant 0 : i32
      %dma_wait3A_68 = arith.constant 0 : i32
      %dma_wait3A_69 = tpu.memref_slice %arg2[%dma_wait3A_67, %dma_wait3A_68] : memref<10000x128xf32, #tpu.memory_space<hbm>> -> memref<10000x128xf32, #tpu.memory_space<hbm>>
      tpu.wait_indirect_dma semaphore(%arg13 : memref<!tpu.dma_semaphore, #tpu.memory_space<semaphore_mem>>) src(%dma_wait3A_69 : memref<10000x128xf32, #tpu.memory_space<hbm>>) dst(%arg10 : memref<128x128xf32, #tpu.memory_space<vmem>>)
      "tpu.region"() ({
        %run_scoped3A = tpu.sem_alloc : memref<!tpu.dma_semaphore, #tpu.memory_space<semaphore_mem>>
        %dma_start3A_77 = arith.constant 0 : i32
        %dma_start3A_78 = tpu.memref_slice %arg8[%add3A_63, %dma_start3A_77] : memref<40x128xi32, #tpu.memory_space<vmem>> -> memref<1x128xi32, #tpu.memory_space<vmem>>
        %dma_start3A_79 = tpu.memref_squeeze %dma_start3A_78 : memref<1x128xi32, #tpu.memory_space<vmem>> -> memref<128xi32, #tpu.memory_space<vmem>>
        %dma_start3A_80 = arith.constant 0 : i32
        %dma_start3A_81 = arith.constant 0 : i32
        %dma_start3A_82 = tpu.memref_slice %arg11[%dma_start3A_80, %dma_start3A_81] : memref<10112x128xf32, #tpu.memory_space<vmem_shared>> -> memref<10112x128xf32, #tpu.memory_space<vmem_shared>>
        tpu.enqueue_indirect_dma source(%arg10 : memref<128x128xf32, #tpu.memory_space<vmem>>) target(%dma_start3A_82 : memref<10112x128xf32, #tpu.memory_space<vmem_shared>>) offsets(%dma_start3A_79 : memref<128xi32, #tpu.memory_space<vmem>>) semaphore(%run_scoped3A : memref<!tpu.dma_semaphore, #tpu.memory_space<semaphore_mem>>) {add = true}
        %dma_wait3A_83 = arith.constant 0 : i32
        %dma_wait3A_84 = tpu.memref_slice %arg8[%add3A_63, %dma_wait3A_83] : memref<40x128xi32, #tpu.memory_space<vmem>> -> memref<1x128xi32, #tpu.memory_space<vmem>>
        %dma_wait3A_85 = tpu.memref_squeeze %dma_wait3A_84 : memref<1x128xi32, #tpu.memory_space<vmem>> -> memref<128xi32, #tpu.memory_space<vmem>>
        %dma_wait3A_86 = arith.constant 0 : i32
        %dma_wait3A_87 = arith.constant 0 : i32
        %dma_wait3A_88 = tpu.memref_slice %arg11[%dma_wait3A_86, %dma_wait3A_87] : memref<10112x128xf32, #tpu.memory_space<vmem_shared>> -> memref<10112x128xf32, #tpu.memory_space<vmem_shared>>
        tpu.wait_indirect_dma semaphore(%run_scoped3A : memref<!tpu.dma_semaphore, #tpu.memory_space<semaphore_mem>>) src(%arg10 : memref<128x128xf32, #tpu.memory_space<vmem>>) dst(%dma_wait3A_88 : memref<10112x128xf32, #tpu.memory_space<vmem_shared>>)
        tpu.yield
      }) : () -> ()
      %add3A_70 = arith.constant 2 : i32
      %add3A_71 = arith.addi %add3A_63, %add3A_70 : i32
      %lt3A_72 = arith.constant 40 : i32
      %lt3A_73 = arith.cmpi slt, %add3A_71, %lt3A_72 : i32
      %convert_element_type3A_74 = arith.extui %lt3A_73 : i1 to i32
      %cond3A_75 = arith.constant 0 : i32
      %cond3A_76 = arith.cmpi ne, %convert_element_type3A_74, %cond3A_75 : i32
      scf.if %cond3A_76 {
        %add3A_77 = arith.constant 2 : i32
        %add3A_78 = arith.addi %add3A_63, %add3A_77 : i32
        %dma_start3A_79 = arith.constant 0 : i32
        %dma_start3A_80 = tpu.memref_slice %arg7[%add3A_78, %dma_start3A_79] : memref<40x128xi32, #tpu.memory_space<vmem>> -> memref<1x128xi32, #tpu.memory_space<vmem>>
        %dma_start3A_81 = tpu.memref_squeeze %dma_start3A_80 : memref<1x128xi32, #tpu.memory_space<vmem>> -> memref<128xi32, #tpu.memory_space<vmem>>
        %dma_start3A_82 = arith.constant 0 : i32
        %dma_start3A_83 = arith.constant 0 : i32
        %dma_start3A_84 = tpu.memref_slice %arg2[%dma_start3A_82, %dma_start3A_83] : memref<10000x128xf32, #tpu.memory_space<hbm>> -> memref<10000x128xf32, #tpu.memory_space<hbm>>
        tpu.enqueue_indirect_dma source(%dma_start3A_84 : memref<10000x128xf32, #tpu.memory_space<hbm>>) target(%arg10 : memref<128x128xf32, #tpu.memory_space<vmem>>) offsets(%dma_start3A_81 : memref<128xi32, #tpu.memory_space<vmem>>) semaphore(%arg13 : memref<!tpu.dma_semaphore, #tpu.memory_space<semaphore_mem>>)
      } else {
      }
    }
    %scan3A_40 = arith.constant 20 : i32
    %barrier3A_41 = arith.constant 0 : index
    tpu.barrier barrier_id(%barrier3A_41)
    %mul3A_42 = arith.constant 632 : i32
    %mul3A_43 = arith.muli %arg1, %mul3A_42 : i32
    %mul3A_44 = arith.constant 632 : i32
    %mul3A_45 = arith.muli %arg1, %mul3A_44 : i32
    "tpu.region"() ({
      %run_scoped3A = tpu.sem_alloc : memref<!tpu.dma_semaphore, #tpu.memory_space<semaphore_mem>>
      %dma_start3A_46 = arith.constant 0 : i32
      %dma_start3A_47 = tpu.memref_slice %arg6[%arg0, %mul3A_45, %dma_start3A_46] : memref<2x10112x128xf32, #tpu.memory_space<hbm>> -> memref<1x632x128xf32, #tpu.memory_space<hbm>>
      %dma_start3A_48 = tpu.memref_squeeze %dma_start3A_47 : memref<1x632x128xf32, #tpu.memory_space<hbm>> -> memref<632x128xf32, #tpu.memory_space<hbm>>
      %dma_start3A_49 = arith.constant 0 : i32
      %dma_start3A_50 = tpu.memref_slice %arg11[%mul3A_43, %dma_start3A_49] : memref<10112x128xf32, #tpu.memory_space<vmem_shared>> -> memref<632x128xf32, #tpu.memory_space<vmem_shared>>
      tpu.enqueue_dma source(%dma_start3A_50 : memref<632x128xf32, #tpu.memory_space<vmem_shared>>) target(%dma_start3A_48 : memref<632x128xf32, #tpu.memory_space<hbm>>) target_semaphore(%run_scoped3A : memref<!tpu.dma_semaphore, #tpu.memory_space<semaphore_mem>>)
      %dma_wait3A = arith.constant 0 : i32
      %dma_wait3A_51 = tpu.memref_slice %arg6[%arg0, %mul3A_45, %dma_wait3A] : memref<2x10112x128xf32, #tpu.memory_space<hbm>> -> memref<1x632x128xf32, #tpu.memory_space<hbm>>
      %dma_wait3A_52 = tpu.memref_squeeze %dma_wait3A_51 : memref<1x632x128xf32, #tpu.memory_space<hbm>> -> memref<632x128xf32, #tpu.memory_space<hbm>>
      %dma_wait3A_53 = arith.constant 0 : i32
      %dma_wait3A_54 = tpu.memref_slice %arg11[%mul3A_43, %dma_wait3A_53] : memref<10112x128xf32, #tpu.memory_space<vmem_shared>> -> memref<632x128xf32, #tpu.memory_space<vmem_shared>>
      tpu.wait_dma2 semaphore(%run_scoped3A : memref<!tpu.dma_semaphore, #tpu.memory_space<semaphore_mem>>) src(%dma_wait3A_54 : memref<632x128xf32, #tpu.memory_space<vmem_shared>>) dst(%dma_wait3A_52 : memref<632x128xf32, #tpu.memory_space<hbm>>)
      tpu.yield
    }) : () -> ()
    return
  }
}

#map = affine_map<(d0, d1) -> (0, 0, 0)>
#map1 = affine_map<(d0, d1) -> (0, 0)>
module attributes {stable_mosaic.version = 14 : i64} {
  func.func @_sc_deg_body(%arg0: i32, %arg1: i32, %arg2: memref<32x80x128xi32, #tpu.memory_space<hbm>>, %arg3: memref<10112x128xf32, #tpu.memory_space<hbm>>, %arg4: memref<128x128xf32, #tpu.memory_space<hbm>>, %arg5: memref<2x10112x128xf32, #tpu.memory_space<hbm>>, %arg6: memref<40x128xi32, #tpu.memory_space<vmem>>, %arg7: memref<128x128xf32, #tpu.memory_space<vmem>>, %arg8: memref<10112x128xf32, #tpu.memory_space<vmem_shared>>) attributes {dimension_semantics = [#tpu.dimension_semantics<core_parallel>, #tpu.dimension_semantics<subcore_parallel>], iteration_bounds = array<i64: 2, 16>, scalar_prefetch = 0 : i64, scratch_operands = 3 : i64, tpu.core_type = #tpu.core_type<sc_vector_subcore>, window_params = [{transform_indices = #map}, {transform_indices = #map1}, {transform_indices = #map1}, {transform_indices = #map}]} {
    %mul3A = arith.constant 16 : i32
    %mul3A_0 = arith.muli %arg0, %mul3A : i32
    %add3A = arith.addi %mul3A_0, %arg1 : i32
    "tpu.region"() ({
      %run_scoped3A = tpu.sem_alloc : memref<!tpu.dma_semaphore, #tpu.memory_space<semaphore_mem>>
      tpu.enqueue_dma source(%arg4 : memref<128x128xf32, #tpu.memory_space<hbm>>) target(%arg7 : memref<128x128xf32, #tpu.memory_space<vmem>>) target_semaphore(%run_scoped3A : memref<!tpu.dma_semaphore, #tpu.memory_space<semaphore_mem>>)
      tpu.wait_dma2 semaphore(%run_scoped3A : memref<!tpu.dma_semaphore, #tpu.memory_space<semaphore_mem>>) src(%arg4 : memref<128x128xf32, #tpu.memory_space<hbm>>) dst(%arg7 : memref<128x128xf32, #tpu.memory_space<vmem>>)
      tpu.yield
    }) : () -> ()
    %mul3A_1 = arith.constant 632 : i32
    %mul3A_2 = arith.muli %arg1, %mul3A_1 : i32
    %mul3A_3 = arith.constant 632 : i32
    %mul3A_4 = arith.muli %arg1, %mul3A_3 : i32
    "tpu.region"() ({
      %run_scoped3A = tpu.sem_alloc : memref<!tpu.dma_semaphore, #tpu.memory_space<semaphore_mem>>
      %dma_start3A = arith.constant 0 : i32
      %dma_start3A_19 = tpu.memref_slice %arg8[%mul3A_4, %dma_start3A] : memref<10112x128xf32, #tpu.memory_space<vmem_shared>> -> memref<632x128xf32, #tpu.memory_space<vmem_shared>>
      %dma_start3A_20 = arith.constant 0 : i32
      %dma_start3A_21 = tpu.memref_slice %arg3[%mul3A_2, %dma_start3A_20] : memref<10112x128xf32, #tpu.memory_space<hbm>> -> memref<632x128xf32, #tpu.memory_space<hbm>>
      tpu.enqueue_dma source(%dma_start3A_21 : memref<632x128xf32, #tpu.memory_space<hbm>>) target(%dma_start3A_19 : memref<632x128xf32, #tpu.memory_space<vmem_shared>>) target_semaphore(%run_scoped3A : memref<!tpu.dma_semaphore, #tpu.memory_space<semaphore_mem>>)
      %dma_wait3A = arith.constant 0 : i32
      %dma_wait3A_22 = tpu.memref_slice %arg8[%mul3A_4, %dma_wait3A] : memref<10112x128xf32, #tpu.memory_space<vmem_shared>> -> memref<632x128xf32, #tpu.memory_space<vmem_shared>>
      %dma_wait3A_23 = arith.constant 0 : i32
      %dma_wait3A_24 = tpu.memref_slice %arg3[%mul3A_2, %dma_wait3A_23] : memref<10112x128xf32, #tpu.memory_space<hbm>> -> memref<632x128xf32, #tpu.memory_space<hbm>>
      tpu.wait_dma2 semaphore(%run_scoped3A : memref<!tpu.dma_semaphore, #tpu.memory_space<semaphore_mem>>) src(%dma_wait3A_24 : memref<632x128xf32, #tpu.memory_space<hbm>>) dst(%dma_wait3A_22 : memref<632x128xf32, #tpu.memory_space<vmem_shared>>)
      tpu.yield
    }) : () -> ()
    %barrier3A = arith.constant 0 : index
    tpu.barrier barrier_id(%barrier3A)
    "tpu.region"() ({
      %run_scoped3A = tpu.sem_alloc : memref<!tpu.dma_semaphore, #tpu.memory_space<semaphore_mem>>
      %dma_start3A = arith.constant 0 : i32
      %dma_start3A_19 = arith.constant 0 : i32
      %dma_start3A_20 = tpu.memref_slice %arg2[%add3A, %dma_start3A, %dma_start3A_19] : memref<32x80x128xi32, #tpu.memory_space<hbm>> -> memref<1x40x128xi32, #tpu.memory_space<hbm>>
      %dma_start3A_21 = tpu.memref_squeeze %dma_start3A_20 : memref<1x40x128xi32, #tpu.memory_space<hbm>> -> memref<40x128xi32, #tpu.memory_space<hbm>>
      %dma_start3A_22 = arith.constant 0 : i32
      %dma_start3A_23 = arith.constant 0 : i32
      %dma_start3A_24 = tpu.memref_slice %arg2[%add3A, %dma_start3A_22, %dma_start3A_23] : memref<32x80x128xi32, #tpu.memory_space<hbm>> -> memref<1x40x128xi32, #tpu.memory_space<hbm>>
      %dma_start3A_25 = tpu.memref_squeeze %dma_start3A_24 : memref<1x40x128xi32, #tpu.memory_space<hbm>> -> memref<40x128xi32, #tpu.memory_space<hbm>>
      tpu.enqueue_dma source(%dma_start3A_25 : memref<40x128xi32, #tpu.memory_space<hbm>>) target(%arg6 : memref<40x128xi32, #tpu.memory_space<vmem>>) target_semaphore(%run_scoped3A : memref<!tpu.dma_semaphore, #tpu.memory_space<semaphore_mem>>)
      %dma_wait3A = arith.constant 0 : i32
      %dma_wait3A_26 = arith.constant 0 : i32
      %dma_wait3A_27 = tpu.memref_slice %arg2[%add3A, %dma_wait3A, %dma_wait3A_26] : memref<32x80x128xi32, #tpu.memory_space<hbm>> -> memref<1x40x128xi32, #tpu.memory_space<hbm>>
      %dma_wait3A_28 = tpu.memref_squeeze %dma_wait3A_27 : memref<1x40x128xi32, #tpu.memory_space<hbm>> -> memref<40x128xi32, #tpu.memory_space<hbm>>
      %dma_wait3A_29 = arith.constant 0 : i32
      %dma_wait3A_30 = arith.constant 0 : i32
      %dma_wait3A_31 = tpu.memref_slice %arg2[%add3A, %dma_wait3A_29, %dma_wait3A_30] : memref<32x80x128xi32, #tpu.memory_space<hbm>> -> memref<1x40x128xi32, #tpu.memory_space<hbm>>
      %dma_wait3A_32 = tpu.memref_squeeze %dma_wait3A_31 : memref<1x40x128xi32, #tpu.memory_space<hbm>> -> memref<40x128xi32, #tpu.memory_space<hbm>>
      tpu.wait_dma2 semaphore(%run_scoped3A : memref<!tpu.dma_semaphore, #tpu.memory_space<semaphore_mem>>) src(%dma_wait3A_32 : memref<40x128xi32, #tpu.memory_space<hbm>>) dst(%arg6 : memref<40x128xi32, #tpu.memory_space<vmem>>)
      tpu.yield
    }) : () -> ()
    %scan3A = arith.constant 0 : i32
    %scan3A_5 = arith.constant 40 : i32
    %scan3A_6 = arith.addi %scan3A, %scan3A_5 : i32
    %scan3A_7 = arith.constant 1 : i32
    scf.for %scan3A_19 = %scan3A to %scan3A_6 step %scan3A_7  : i32 {
      %mul3A_20 = arith.constant 1 : i32
      %mul3A_21 = arith.muli %scan3A_19, %mul3A_20 : i32
      %add3A_22 = arith.constant 0 : i32
      %add3A_23 = arith.addi %add3A_22, %mul3A_21 : i32
      "tpu.region"() ({
        %run_scoped3A = tpu.sem_alloc : memref<!tpu.dma_semaphore, #tpu.memory_space<semaphore_mem>>
        %dma_start3A = arith.constant 0 : i32
        %dma_start3A_24 = tpu.memref_slice %arg6[%add3A_23, %dma_start3A] : memref<40x128xi32, #tpu.memory_space<vmem>> -> memref<1x128xi32, #tpu.memory_space<vmem>>
        %dma_start3A_25 = tpu.memref_squeeze %dma_start3A_24 : memref<1x128xi32, #tpu.memory_space<vmem>> -> memref<128xi32, #tpu.memory_space<vmem>>
        %dma_start3A_26 = arith.constant 0 : i32
        %dma_start3A_27 = arith.constant 0 : i32
        %dma_start3A_28 = tpu.memref_slice %arg8[%dma_start3A_26, %dma_start3A_27] : memref<10112x128xf32, #tpu.memory_space<vmem_shared>> -> memref<10112x128xf32, #tpu.memory_space<vmem_shared>>
        tpu.enqueue_indirect_dma source(%arg7 : memref<128x128xf32, #tpu.memory_space<vmem>>) target(%dma_start3A_28 : memref<10112x128xf32, #tpu.memory_space<vmem_shared>>) offsets(%dma_start3A_25 : memref<128xi32, #tpu.memory_space<vmem>>) semaphore(%run_scoped3A : memref<!tpu.dma_semaphore, #tpu.memory_space<semaphore_mem>>) {add = true}
        %dma_wait3A = arith.constant 0 : i32
        %dma_wait3A_29 = tpu.memref_slice %arg6[%add3A_23, %dma_wait3A] : memref<40x128xi32, #tpu.memory_space<vmem>> -> memref<1x128xi32, #tpu.memory_space<vmem>>
        %dma_wait3A_30 = tpu.memref_squeeze %dma_wait3A_29 : memref<1x128xi32, #tpu.memory_space<vmem>> -> memref<128xi32, #tpu.memory_space<vmem>>
        %dma_wait3A_31 = arith.constant 0 : i32
        %dma_wait3A_32 = arith.constant 0 : i32
        %dma_wait3A_33 = tpu.memref_slice %arg8[%dma_wait3A_31, %dma_wait3A_32] : memref<10112x128xf32, #tpu.memory_space<vmem_shared>> -> memref<10112x128xf32, #tpu.memory_space<vmem_shared>>
        tpu.wait_indirect_dma semaphore(%run_scoped3A : memref<!tpu.dma_semaphore, #tpu.memory_space<semaphore_mem>>) src(%arg7 : memref<128x128xf32, #tpu.memory_space<vmem>>) dst(%dma_wait3A_33 : memref<10112x128xf32, #tpu.memory_space<vmem_shared>>)
        tpu.yield
      }) : () -> ()
    }
    %scan3A_8 = arith.constant 40 : i32
    "tpu.region"() ({
      %run_scoped3A = tpu.sem_alloc : memref<!tpu.dma_semaphore, #tpu.memory_space<semaphore_mem>>
      %dma_start3A = arith.constant 40 : i32
      %dma_start3A_19 = arith.constant 0 : i32
      %dma_start3A_20 = tpu.memref_slice %arg2[%add3A, %dma_start3A, %dma_start3A_19] : memref<32x80x128xi32, #tpu.memory_space<hbm>> -> memref<1x40x128xi32, #tpu.memory_space<hbm>>
      %dma_start3A_21 = tpu.memref_squeeze %dma_start3A_20 : memref<1x40x128xi32, #tpu.memory_space<hbm>> -> memref<40x128xi32, #tpu.memory_space<hbm>>
      %dma_start3A_22 = arith.constant 40 : i32
      %dma_start3A_23 = arith.constant 0 : i32
      %dma_start3A_24 = tpu.memref_slice %arg2[%add3A, %dma_start3A_22, %dma_start3A_23] : memref<32x80x128xi32, #tpu.memory_space<hbm>> -> memref<1x40x128xi32, #tpu.memory_space<hbm>>
      %dma_start3A_25 = tpu.memref_squeeze %dma_start3A_24 : memref<1x40x128xi32, #tpu.memory_space<hbm>> -> memref<40x128xi32, #tpu.memory_space<hbm>>
      tpu.enqueue_dma source(%dma_start3A_25 : memref<40x128xi32, #tpu.memory_space<hbm>>) target(%arg6 : memref<40x128xi32, #tpu.memory_space<vmem>>) target_semaphore(%run_scoped3A : memref<!tpu.dma_semaphore, #tpu.memory_space<semaphore_mem>>)
      %dma_wait3A = arith.constant 40 : i32
      %dma_wait3A_26 = arith.constant 0 : i32
      %dma_wait3A_27 = tpu.memref_slice %arg2[%add3A, %dma_wait3A, %dma_wait3A_26] : memref<32x80x128xi32, #tpu.memory_space<hbm>> -> memref<1x40x128xi32, #tpu.memory_space<hbm>>
      %dma_wait3A_28 = tpu.memref_squeeze %dma_wait3A_27 : memref<1x40x128xi32, #tpu.memory_space<hbm>> -> memref<40x128xi32, #tpu.memory_space<hbm>>
      %dma_wait3A_29 = arith.constant 40 : i32
      %dma_wait3A_30 = arith.constant 0 : i32
      %dma_wait3A_31 = tpu.memref_slice %arg2[%add3A, %dma_wait3A_29, %dma_wait3A_30] : memref<32x80x128xi32, #tpu.memory_space<hbm>> -> memref<1x40x128xi32, #tpu.memory_space<hbm>>
      %dma_wait3A_32 = tpu.memref_squeeze %dma_wait3A_31 : memref<1x40x128xi32, #tpu.memory_space<hbm>> -> memref<40x128xi32, #tpu.memory_space<hbm>>
      tpu.wait_dma2 semaphore(%run_scoped3A : memref<!tpu.dma_semaphore, #tpu.memory_space<semaphore_mem>>) src(%dma_wait3A_32 : memref<40x128xi32, #tpu.memory_space<hbm>>) dst(%arg6 : memref<40x128xi32, #tpu.memory_space<vmem>>)
      tpu.yield
    }) : () -> ()
    %scan3A_9 = arith.constant 0 : i32
    %scan3A_10 = arith.constant 40 : i32
    %scan3A_11 = arith.addi %scan3A_9, %scan3A_10 : i32
    %scan3A_12 = arith.constant 1 : i32
    scf.for %scan3A_19 = %scan3A_9 to %scan3A_11 step %scan3A_12  : i32 {
      %mul3A_20 = arith.constant 1 : i32
      %mul3A_21 = arith.muli %scan3A_19, %mul3A_20 : i32
      %add3A_22 = arith.constant 0 : i32
      %add3A_23 = arith.addi %add3A_22, %mul3A_21 : i32
      "tpu.region"() ({
        %run_scoped3A = tpu.sem_alloc : memref<!tpu.dma_semaphore, #tpu.memory_space<semaphore_mem>>
        %dma_start3A = arith.constant 0 : i32
        %dma_start3A_24 = tpu.memref_slice %arg6[%add3A_23, %dma_start3A] : memref<40x128xi32, #tpu.memory_space<vmem>> -> memref<1x128xi32, #tpu.memory_space<vmem>>
        %dma_start3A_25 = tpu.memref_squeeze %dma_start3A_24 : memref<1x128xi32, #tpu.memory_space<vmem>> -> memref<128xi32, #tpu.memory_space<vmem>>
        %dma_start3A_26 = arith.constant 0 : i32
        %dma_start3A_27 = arith.constant 0 : i32
        %dma_start3A_28 = tpu.memref_slice %arg8[%dma_start3A_26, %dma_start3A_27] : memref<10112x128xf32, #tpu.memory_space<vmem_shared>> -> memref<10112x128xf32, #tpu.memory_space<vmem_shared>>
        tpu.enqueue_indirect_dma source(%arg7 : memref<128x128xf32, #tpu.memory_space<vmem>>) target(%dma_start3A_28 : memref<10112x128xf32, #tpu.memory_space<vmem_shared>>) offsets(%dma_start3A_25 : memref<128xi32, #tpu.memory_space<vmem>>) semaphore(%run_scoped3A : memref<!tpu.dma_semaphore, #tpu.memory_space<semaphore_mem>>) {add = true}
        %dma_wait3A = arith.constant 0 : i32
        %dma_wait3A_29 = tpu.memref_slice %arg6[%add3A_23, %dma_wait3A] : memref<40x128xi32, #tpu.memory_space<vmem>> -> memref<1x128xi32, #tpu.memory_space<vmem>>
        %dma_wait3A_30 = tpu.memref_squeeze %dma_wait3A_29 : memref<1x128xi32, #tpu.memory_space<vmem>> -> memref<128xi32, #tpu.memory_space<vmem>>
        %dma_wait3A_31 = arith.constant 0 : i32
        %dma_wait3A_32 = arith.constant 0 : i32
        %dma_wait3A_33 = tpu.memref_slice %arg8[%dma_wait3A_31, %dma_wait3A_32] : memref<10112x128xf32, #tpu.memory_space<vmem_shared>> -> memref<10112x128xf32, #tpu.memory_space<vmem_shared>>
        tpu.wait_indirect_dma semaphore(%run_scoped3A : memref<!tpu.dma_semaphore, #tpu.memory_space<semaphore_mem>>) src(%arg7 : memref<128x128xf32, #tpu.memory_space<vmem>>) dst(%dma_wait3A_33 : memref<10112x128xf32, #tpu.memory_space<vmem_shared>>)
        tpu.yield
      }) : () -> ()
    }
    %scan3A_13 = arith.constant 40 : i32
    %barrier3A_14 = arith.constant 0 : index
    tpu.barrier barrier_id(%barrier3A_14)
    %mul3A_15 = arith.constant 632 : i32
    %mul3A_16 = arith.muli %arg1, %mul3A_15 : i32
    %mul3A_17 = arith.constant 632 : i32
    %mul3A_18 = arith.muli %arg1, %mul3A_17 : i32
    "tpu.region"() ({
      %run_scoped3A = tpu.sem_alloc : memref<!tpu.dma_semaphore, #tpu.memory_space<semaphore_mem>>
      %dma_start3A = arith.constant 0 : i32
      %dma_start3A_19 = tpu.memref_slice %arg5[%arg0, %mul3A_18, %dma_start3A] : memref<2x10112x128xf32, #tpu.memory_space<hbm>> -> memref<1x632x128xf32, #tpu.memory_space<hbm>>
      %dma_start3A_20 = tpu.memref_squeeze %dma_start3A_19 : memref<1x632x128xf32, #tpu.memory_space<hbm>> -> memref<632x128xf32, #tpu.memory_space<hbm>>
      %dma_start3A_21 = arith.constant 0 : i32
      %dma_start3A_22 = tpu.memref_slice %arg8[%mul3A_16, %dma_start3A_21] : memref<10112x128xf32, #tpu.memory_space<vmem_shared>> -> memref<632x128xf32, #tpu.memory_space<vmem_shared>>
      tpu.enqueue_dma source(%dma_start3A_22 : memref<632x128xf32, #tpu.memory_space<vmem_shared>>) target(%dma_start3A_20 : memref<632x128xf32, #tpu.memory_space<hbm>>) target_semaphore(%run_scoped3A : memref<!tpu.dma_semaphore, #tpu.memory_space<semaphore_mem>>)
      %dma_wait3A = arith.constant 0 : i32
      %dma_wait3A_23 = tpu.memref_slice %arg5[%arg0, %mul3A_18, %dma_wait3A] : memref<2x10112x128xf32, #tpu.memory_space<hbm>> -> memref<1x632x128xf32, #tpu.memory_space<hbm>>
      %dma_wait3A_24 = tpu.memref_squeeze %dma_wait3A_23 : memref<1x632x128xf32, #tpu.memory_space<hbm>> -> memref<632x128xf32, #tpu.memory_space<hbm>>
      %dma_wait3A_25 = arith.constant 0 : i32
      %dma_wait3A_26 = tpu.memref_slice %arg8[%mul3A_16, %dma_wait3A_25] : memref<10112x128xf32, #tpu.memory_space<vmem_shared>> -> memref<632x128xf32, #tpu.memory_space<vmem_shared>>
      tpu.wait_dma2 semaphore(%run_scoped3A : memref<!tpu.dma_semaphore, #tpu.memory_space<semaphore_mem>>) src(%dma_wait3A_26 : memref<632x128xf32, #tpu.memory_space<vmem_shared>>) dst(%dma_wait3A_24 : memref<632x128xf32, #tpu.memory_space<hbm>>)
      tpu.yield
    }) : () -> ()
    return
  }
}

#map = affine_map<(d0, d1) -> (0, 0)>
#map1 = affine_map<(d0, d1) -> (0, 0, 0)>
module attributes {stable_mosaic.version = 14 : i64} {
  func.func @_sc_agg_body(%arg0: i32, %arg1: i32, %arg2: memref<10000x128xf32, #tpu.memory_space<hbm>>, %arg3: memref<32x80x128xi32, #tpu.memory_space<hbm>>, %arg4: memref<32x80x128xi32, #tpu.memory_space<hbm>>, %arg5: memref<10112x128xf32, #tpu.memory_space<hbm>>, %arg6: memref<2x10112x128xf32, #tpu.memory_space<hbm>>, %arg7: memref<40x128xi32, #tpu.memory_space<vmem>>, %arg8: memref<40x128xi32, #tpu.memory_space<vmem>>, %arg9: memref<128x128xf32, #tpu.memory_space<vmem>>, %arg10: memref<128x128xf32, #tpu.memory_space<vmem>>, %arg11: memref<10112x128xf32, #tpu.memory_space<vmem_shared>>, %arg12: memref<!tpu.dma_semaphore, #tpu.memory_space<semaphore_mem>>, %arg13: memref<!tpu.dma_semaphore, #tpu.memory_space<semaphore_mem>>) attributes {dimension_semantics = [#tpu.dimension_semantics<core_parallel>, #tpu.dimension_semantics<subcore_parallel>], iteration_bounds = array<i64: 2, 16>, scalar_prefetch = 0 : i64, scratch_operands = 7 : i64, tpu.core_type = #tpu.core_type<sc_vector_subcore>, window_params = [{transform_indices = #map}, {transform_indices = #map1}, {transform_indices = #map1}, {transform_indices = #map}, {transform_indices = #map1}]} {
    %mul3A = arith.constant 16 : i32
    %mul3A_0 = arith.muli %arg0, %mul3A : i32
    %add3A = arith.addi %mul3A_0, %arg1 : i32
    %mul3A_1 = arith.constant 632 : i32
    %mul3A_2 = arith.muli %arg1, %mul3A_1 : i32
    %mul3A_3 = arith.constant 632 : i32
    %mul3A_4 = arith.muli %arg1, %mul3A_3 : i32
    "tpu.region"() ({
      %run_scoped3A = tpu.sem_alloc : memref<!tpu.dma_semaphore, #tpu.memory_space<semaphore_mem>>
      %dma_start3A_46 = arith.constant 0 : i32
      %dma_start3A_47 = tpu.memref_slice %arg11[%mul3A_4, %dma_start3A_46] : memref<10112x128xf32, #tpu.memory_space<vmem_shared>> -> memref<632x128xf32, #tpu.memory_space<vmem_shared>>
      %dma_start3A_48 = arith.constant 0 : i32
      %dma_start3A_49 = tpu.memref_slice %arg5[%mul3A_2, %dma_start3A_48] : memref<10112x128xf32, #tpu.memory_space<hbm>> -> memref<632x128xf32, #tpu.memory_space<hbm>>
      tpu.enqueue_dma source(%dma_start3A_49 : memref<632x128xf32, #tpu.memory_space<hbm>>) target(%dma_start3A_47 : memref<632x128xf32, #tpu.memory_space<vmem_shared>>) target_semaphore(%run_scoped3A : memref<!tpu.dma_semaphore, #tpu.memory_space<semaphore_mem>>)
      %dma_wait3A = arith.constant 0 : i32
      %dma_wait3A_50 = tpu.memref_slice %arg11[%mul3A_4, %dma_wait3A] : memref<10112x128xf32, #tpu.memory_space<vmem_shared>> -> memref<632x128xf32, #tpu.memory_space<vmem_shared>>
      %dma_wait3A_51 = arith.constant 0 : i32
      %dma_wait3A_52 = tpu.memref_slice %arg5[%mul3A_2, %dma_wait3A_51] : memref<10112x128xf32, #tpu.memory_space<hbm>> -> memref<632x128xf32, #tpu.memory_space<hbm>>
      tpu.wait_dma2 semaphore(%run_scoped3A : memref<!tpu.dma_semaphore, #tpu.memory_space<semaphore_mem>>) src(%dma_wait3A_52 : memref<632x128xf32, #tpu.memory_space<hbm>>) dst(%dma_wait3A_50 : memref<632x128xf32, #tpu.memory_space<vmem_shared>>)
      tpu.yield
    }) : () -> ()
    %barrier3A = arith.constant 0 : index
    tpu.barrier barrier_id(%barrier3A)
    "tpu.region"() ({
      %run_scoped3A = tpu.sem_alloc : memref<!tpu.dma_semaphore, #tpu.memory_space<semaphore_mem>>
      %dma_start3A_46 = arith.constant 0 : i32
      %dma_start3A_47 = arith.constant 0 : i32
      %dma_start3A_48 = tpu.memref_slice %arg3[%add3A, %dma_start3A_46, %dma_start3A_47] : memref<32x80x128xi32, #tpu.memory_space<hbm>> -> memref<1x40x128xi32, #tpu.memory_space<hbm>>
      %dma_start3A_49 = tpu.memref_squeeze %dma_start3A_48 : memref<1x40x128xi32, #tpu.memory_space<hbm>> -> memref<40x128xi32, #tpu.memory_space<hbm>>
      %dma_start3A_50 = arith.constant 0 : i32
      %dma_start3A_51 = arith.constant 0 : i32
      %dma_start3A_52 = tpu.memref_slice %arg3[%add3A, %dma_start3A_50, %dma_start3A_51] : memref<32x80x128xi32, #tpu.memory_space<hbm>> -> memref<1x40x128xi32, #tpu.memory_space<hbm>>
      %dma_start3A_53 = tpu.memref_squeeze %dma_start3A_52 : memref<1x40x128xi32, #tpu.memory_space<hbm>> -> memref<40x128xi32, #tpu.memory_space<hbm>>
      tpu.enqueue_dma source(%dma_start3A_53 : memref<40x128xi32, #tpu.memory_space<hbm>>) target(%arg7 : memref<40x128xi32, #tpu.memory_space<vmem>>) target_semaphore(%run_scoped3A : memref<!tpu.dma_semaphore, #tpu.memory_space<semaphore_mem>>)
      %dma_wait3A = arith.constant 0 : i32
      %dma_wait3A_54 = arith.constant 0 : i32
      %dma_wait3A_55 = tpu.memref_slice %arg3[%add3A, %dma_wait3A, %dma_wait3A_54] : memref<32x80x128xi32, #tpu.memory_space<hbm>> -> memref<1x40x128xi32, #tpu.memory_space<hbm>>
      %dma_wait3A_56 = tpu.memref_squeeze %dma_wait3A_55 : memref<1x40x128xi32, #tpu.memory_space<hbm>> -> memref<40x128xi32, #tpu.memory_space<hbm>>
      %dma_wait3A_57 = arith.constant 0 : i32
      %dma_wait3A_58 = arith.constant 0 : i32
      %dma_wait3A_59 = tpu.memref_slice %arg3[%add3A, %dma_wait3A_57, %dma_wait3A_58] : memref<32x80x128xi32, #tpu.memory_space<hbm>> -> memref<1x40x128xi32, #tpu.memory_space<hbm>>
      %dma_wait3A_60 = tpu.memref_squeeze %dma_wait3A_59 : memref<1x40x128xi32, #tpu.memory_space<hbm>> -> memref<40x128xi32, #tpu.memory_space<hbm>>
      tpu.wait_dma2 semaphore(%run_scoped3A : memref<!tpu.dma_semaphore, #tpu.memory_space<semaphore_mem>>) src(%dma_wait3A_60 : memref<40x128xi32, #tpu.memory_space<hbm>>) dst(%arg7 : memref<40x128xi32, #tpu.memory_space<vmem>>)
      tpu.yield
    }) : () -> ()
    "tpu.region"() ({
      %run_scoped3A = tpu.sem_alloc : memref<!tpu.dma_semaphore, #tpu.memory_space<semaphore_mem>>
      %dma_start3A_46 = arith.constant 0 : i32
      %dma_start3A_47 = arith.constant 0 : i32
      %dma_start3A_48 = tpu.memref_slice %arg4[%add3A, %dma_start3A_46, %dma_start3A_47] : memref<32x80x128xi32, #tpu.memory_space<hbm>> -> memref<1x40x128xi32, #tpu.memory_space<hbm>>
      %dma_start3A_49 = tpu.memref_squeeze %dma_start3A_48 : memref<1x40x128xi32, #tpu.memory_space<hbm>> -> memref<40x128xi32, #tpu.memory_space<hbm>>
      %dma_start3A_50 = arith.constant 0 : i32
      %dma_start3A_51 = arith.constant 0 : i32
      %dma_start3A_52 = tpu.memref_slice %arg4[%add3A, %dma_start3A_50, %dma_start3A_51] : memref<32x80x128xi32, #tpu.memory_space<hbm>> -> memref<1x40x128xi32, #tpu.memory_space<hbm>>
      %dma_start3A_53 = tpu.memref_squeeze %dma_start3A_52 : memref<1x40x128xi32, #tpu.memory_space<hbm>> -> memref<40x128xi32, #tpu.memory_space<hbm>>
      tpu.enqueue_dma source(%dma_start3A_53 : memref<40x128xi32, #tpu.memory_space<hbm>>) target(%arg8 : memref<40x128xi32, #tpu.memory_space<vmem>>) target_semaphore(%run_scoped3A : memref<!tpu.dma_semaphore, #tpu.memory_space<semaphore_mem>>)
      %dma_wait3A = arith.constant 0 : i32
      %dma_wait3A_54 = arith.constant 0 : i32
      %dma_wait3A_55 = tpu.memref_slice %arg4[%add3A, %dma_wait3A, %dma_wait3A_54] : memref<32x80x128xi32, #tpu.memory_space<hbm>> -> memref<1x40x128xi32, #tpu.memory_space<hbm>>
      %dma_wait3A_56 = tpu.memref_squeeze %dma_wait3A_55 : memref<1x40x128xi32, #tpu.memory_space<hbm>> -> memref<40x128xi32, #tpu.memory_space<hbm>>
      %dma_wait3A_57 = arith.constant 0 : i32
      %dma_wait3A_58 = arith.constant 0 : i32
      %dma_wait3A_59 = tpu.memref_slice %arg4[%add3A, %dma_wait3A_57, %dma_wait3A_58] : memref<32x80x128xi32, #tpu.memory_space<hbm>> -> memref<1x40x128xi32, #tpu.memory_space<hbm>>
      %dma_wait3A_60 = tpu.memref_squeeze %dma_wait3A_59 : memref<1x40x128xi32, #tpu.memory_space<hbm>> -> memref<40x128xi32, #tpu.memory_space<hbm>>
      tpu.wait_dma2 semaphore(%run_scoped3A : memref<!tpu.dma_semaphore, #tpu.memory_space<semaphore_mem>>) src(%dma_wait3A_60 : memref<40x128xi32, #tpu.memory_space<hbm>>) dst(%arg8 : memref<40x128xi32, #tpu.memory_space<vmem>>)
      tpu.yield
    }) : () -> ()
    %dma_start3A = arith.constant 0 : i32
    %dma_start3A_5 = arith.constant 0 : i32
    %dma_start3A_6 = tpu.memref_slice %arg7[%dma_start3A, %dma_start3A_5] : memref<40x128xi32, #tpu.memory_space<vmem>> -> memref<1x128xi32, #tpu.memory_space<vmem>>
    %dma_start3A_7 = tpu.memref_squeeze %dma_start3A_6 : memref<1x128xi32, #tpu.memory_space<vmem>> -> memref<128xi32, #tpu.memory_space<vmem>>
    %dma_start3A_8 = arith.constant 0 : i32
    %dma_start3A_9 = arith.constant 0 : i32
    %dma_start3A_10 = tpu.memref_slice %arg2[%dma_start3A_8, %dma_start3A_9] : memref<10000x128xf32, #tpu.memory_space<hbm>> -> memref<10000x128xf32, #tpu.memory_space<hbm>>
    tpu.enqueue_indirect_dma source(%dma_start3A_10 : memref<10000x128xf32, #tpu.memory_space<hbm>>) target(%arg9 : memref<128x128xf32, #tpu.memory_space<vmem>>) offsets(%dma_start3A_7 : memref<128xi32, #tpu.memory_space<vmem>>) semaphore(%arg12 : memref<!tpu.dma_semaphore, #tpu.memory_space<semaphore_mem>>)
    %dma_start3A_11 = arith.constant 1 : i32
    %dma_start3A_12 = arith.constant 0 : i32
    %dma_start3A_13 = tpu.memref_slice %arg7[%dma_start3A_11, %dma_start3A_12] : memref<40x128xi32, #tpu.memory_space<vmem>> -> memref<1x128xi32, #tpu.memory_space<vmem>>
    %dma_start3A_14 = tpu.memref_squeeze %dma_start3A_13 : memref<1x128xi32, #tpu.memory_space<vmem>> -> memref<128xi32, #tpu.memory_space<vmem>>
    %dma_start3A_15 = arith.constant 0 : i32
    %dma_start3A_16 = arith.constant 0 : i32
    %dma_start3A_17 = tpu.memref_slice %arg2[%dma_start3A_15, %dma_start3A_16] : memref<10000x128xf32, #tpu.memory_space<hbm>> -> memref<10000x128xf32, #tpu.memory_space<hbm>>
    tpu.enqueue_indirect_dma source(%dma_start3A_17 : memref<10000x128xf32, #tpu.memory_space<hbm>>) target(%arg10 : memref<128x128xf32, #tpu.memory_space<vmem>>) offsets(%dma_start3A_14 : memref<128xi32, #tpu.memory_space<vmem>>) semaphore(%arg13 : memref<!tpu.dma_semaphore, #tpu.memory_space<semaphore_mem>>)
    %scan3A = arith.constant 0 : i32
    %scan3A_18 = arith.constant 20 : i32
    %scan3A_19 = arith.addi %scan3A, %scan3A_18 : i32
    %scan3A_20 = arith.constant 1 : i32
    scf.for %scan3A_46 = %scan3A to %scan3A_19 step %scan3A_20  : i32 {
      %mul3A_47 = arith.constant 2 : i32
      %mul3A_48 = arith.muli %scan3A_46, %mul3A_47 : i32
      %add3A_49 = arith.constant 0 : i32
      %add3A_50 = arith.addi %add3A_49, %mul3A_48 : i32
      %add3A_51 = arith.constant 0 : i32
      %add3A_52 = arith.addi %add3A_50, %add3A_51 : i32
      %dma_wait3A = arith.constant 0 : i32
      %dma_wait3A_53 = tpu.memref_slice %arg7[%add3A_52, %dma_wait3A] : memref<40x128xi32, #tpu.memory_space<vmem>> -> memref<1x128xi32, #tpu.memory_space<vmem>>
      %dma_wait3A_54 = tpu.memref_squeeze %dma_wait3A_53 : memref<1x128xi32, #tpu.memory_space<vmem>> -> memref<128xi32, #tpu.memory_space<vmem>>
      %dma_wait3A_55 = arith.constant 0 : i32
      %dma_wait3A_56 = arith.constant 0 : i32
      %dma_wait3A_57 = tpu.memref_slice %arg2[%dma_wait3A_55, %dma_wait3A_56] : memref<10000x128xf32, #tpu.memory_space<hbm>> -> memref<10000x128xf32, #tpu.memory_space<hbm>>
      tpu.wait_indirect_dma semaphore(%arg12 : memref<!tpu.dma_semaphore, #tpu.memory_space<semaphore_mem>>) src(%dma_wait3A_57 : memref<10000x128xf32, #tpu.memory_space<hbm>>) dst(%arg9 : memref<128x128xf32, #tpu.memory_space<vmem>>)
      "tpu.region"() ({
        %run_scoped3A = tpu.sem_alloc : memref<!tpu.dma_semaphore, #tpu.memory_space<semaphore_mem>>
        %dma_start3A_77 = arith.constant 0 : i32
        %dma_start3A_78 = tpu.memref_slice %arg8[%add3A_52, %dma_start3A_77] : memref<40x128xi32, #tpu.memory_space<vmem>> -> memref<1x128xi32, #tpu.memory_space<vmem>>
        %dma_start3A_79 = tpu.memref_squeeze %dma_start3A_78 : memref<1x128xi32, #tpu.memory_space<vmem>> -> memref<128xi32, #tpu.memory_space<vmem>>
        %dma_start3A_80 = arith.constant 0 : i32
        %dma_start3A_81 = arith.constant 0 : i32
        %dma_start3A_82 = tpu.memref_slice %arg11[%dma_start3A_80, %dma_start3A_81] : memref<10112x128xf32, #tpu.memory_space<vmem_shared>> -> memref<10112x128xf32, #tpu.memory_space<vmem_shared>>
        tpu.enqueue_indirect_dma source(%arg9 : memref<128x128xf32, #tpu.memory_space<vmem>>) target(%dma_start3A_82 : memref<10112x128xf32, #tpu.memory_space<vmem_shared>>) offsets(%dma_start3A_79 : memref<128xi32, #tpu.memory_space<vmem>>) semaphore(%run_scoped3A : memref<!tpu.dma_semaphore, #tpu.memory_space<semaphore_mem>>) {add = true}
        %dma_wait3A_83 = arith.constant 0 : i32
        %dma_wait3A_84 = tpu.memref_slice %arg8[%add3A_52, %dma_wait3A_83] : memref<40x128xi32, #tpu.memory_space<vmem>> -> memref<1x128xi32, #tpu.memory_space<vmem>>
        %dma_wait3A_85 = tpu.memref_squeeze %dma_wait3A_84 : memref<1x128xi32, #tpu.memory_space<vmem>> -> memref<128xi32, #tpu.memory_space<vmem>>
        %dma_wait3A_86 = arith.constant 0 : i32
        %dma_wait3A_87 = arith.constant 0 : i32
        %dma_wait3A_88 = tpu.memref_slice %arg11[%dma_wait3A_86, %dma_wait3A_87] : memref<10112x128xf32, #tpu.memory_space<vmem_shared>> -> memref<10112x128xf32, #tpu.memory_space<vmem_shared>>
        tpu.wait_indirect_dma semaphore(%run_scoped3A : memref<!tpu.dma_semaphore, #tpu.memory_space<semaphore_mem>>) src(%arg9 : memref<128x128xf32, #tpu.memory_space<vmem>>) dst(%dma_wait3A_88 : memref<10112x128xf32, #tpu.memory_space<vmem_shared>>)
        tpu.yield
      }) : () -> ()
      %add3A_58 = arith.constant 2 : i32
      %add3A_59 = arith.addi %add3A_52, %add3A_58 : i32
      %lt3A = arith.constant 40 : i32
      %lt3A_60 = arith.cmpi slt, %add3A_59, %lt3A : i32
      %convert_element_type3A = arith.extui %lt3A_60 : i1 to i32
      %cond3A = arith.constant 0 : i32
      %cond3A_61 = arith.cmpi ne, %convert_element_type3A, %cond3A : i32
      scf.if %cond3A_61 {
        %add3A_77 = arith.constant 2 : i32
        %add3A_78 = arith.addi %add3A_52, %add3A_77 : i32
        %dma_start3A_79 = arith.constant 0 : i32
        %dma_start3A_80 = tpu.memref_slice %arg7[%add3A_78, %dma_start3A_79] : memref<40x128xi32, #tpu.memory_space<vmem>> -> memref<1x128xi32, #tpu.memory_space<vmem>>
        %dma_start3A_81 = tpu.memref_squeeze %dma_start3A_80 : memref<1x128xi32, #tpu.memory_space<vmem>> -> memref<128xi32, #tpu.memory_space<vmem>>
        %dma_start3A_82 = arith.constant 0 : i32
        %dma_start3A_83 = arith.constant 0 : i32
        %dma_start3A_84 = tpu.memref_slice %arg2[%dma_start3A_82, %dma_start3A_83] : memref<10000x128xf32, #tpu.memory_space<hbm>> -> memref<10000x128xf32, #tpu.memory_space<hbm>>
        tpu.enqueue_indirect_dma source(%dma_start3A_84 : memref<10000x128xf32, #tpu.memory_space<hbm>>) target(%arg9 : memref<128x128xf32, #tpu.memory_space<vmem>>) offsets(%dma_start3A_81 : memref<128xi32, #tpu.memory_space<vmem>>) semaphore(%arg12 : memref<!tpu.dma_semaphore, #tpu.memory_space<semaphore_mem>>)
      } else {
      }
      %add3A_62 = arith.constant 1 : i32
      %add3A_63 = arith.addi %add3A_50, %add3A_62 : i32
      %dma_wait3A_64 = arith.constant 0 : i32
      %dma_wait3A_65 = tpu.memref_slice %arg7[%add3A_63, %dma_wait3A_64] : memref<40x128xi32, #tpu.memory_space<vmem>> -> memref<1x128xi32, #tpu.memory_space<vmem>>
      %dma_wait3A_66 = tpu.memref_squeeze %dma_wait3A_65 : memref<1x128xi32, #tpu.memory_space<vmem>> -> memref<128xi32, #tpu.memory_space<vmem>>
      %dma_wait3A_67 = arith.constant 0 : i32
      %dma_wait3A_68 = arith.constant 0 : i32
      %dma_wait3A_69 = tpu.memref_slice %arg2[%dma_wait3A_67, %dma_wait3A_68] : memref<10000x128xf32, #tpu.memory_space<hbm>> -> memref<10000x128xf32, #tpu.memory_space<hbm>>
      tpu.wait_indirect_dma semaphore(%arg13 : memref<!tpu.dma_semaphore, #tpu.memory_space<semaphore_mem>>) src(%dma_wait3A_69 : memref<10000x128xf32, #tpu.memory_space<hbm>>) dst(%arg10 : memref<128x128xf32, #tpu.memory_space<vmem>>)
      "tpu.region"() ({
        %run_scoped3A = tpu.sem_alloc : memref<!tpu.dma_semaphore, #tpu.memory_space<semaphore_mem>>
        %dma_start3A_77 = arith.constant 0 : i32
        %dma_start3A_78 = tpu.memref_slice %arg8[%add3A_63, %dma_start3A_77] : memref<40x128xi32, #tpu.memory_space<vmem>> -> memref<1x128xi32, #tpu.memory_space<vmem>>
        %dma_start3A_79 = tpu.memref_squeeze %dma_start3A_78 : memref<1x128xi32, #tpu.memory_space<vmem>> -> memref<128xi32, #tpu.memory_space<vmem>>
        %dma_start3A_80 = arith.constant 0 : i32
        %dma_start3A_81 = arith.constant 0 : i32
        %dma_start3A_82 = tpu.memref_slice %arg11[%dma_start3A_80, %dma_start3A_81] : memref<10112x128xf32, #tpu.memory_space<vmem_shared>> -> memref<10112x128xf32, #tpu.memory_space<vmem_shared>>
        tpu.enqueue_indirect_dma source(%arg10 : memref<128x128xf32, #tpu.memory_space<vmem>>) target(%dma_start3A_82 : memref<10112x128xf32, #tpu.memory_space<vmem_shared>>) offsets(%dma_start3A_79 : memref<128xi32, #tpu.memory_space<vmem>>) semaphore(%run_scoped3A : memref<!tpu.dma_semaphore, #tpu.memory_space<semaphore_mem>>) {add = true}
        %dma_wait3A_83 = arith.constant 0 : i32
        %dma_wait3A_84 = tpu.memref_slice %arg8[%add3A_63, %dma_wait3A_83] : memref<40x128xi32, #tpu.memory_space<vmem>> -> memref<1x128xi32, #tpu.memory_space<vmem>>
        %dma_wait3A_85 = tpu.memref_squeeze %dma_wait3A_84 : memref<1x128xi32, #tpu.memory_space<vmem>> -> memref<128xi32, #tpu.memory_space<vmem>>
        %dma_wait3A_86 = arith.constant 0 : i32
        %dma_wait3A_87 = arith.constant 0 : i32
        %dma_wait3A_88 = tpu.memref_slice %arg11[%dma_wait3A_86, %dma_wait3A_87] : memref<10112x128xf32, #tpu.memory_space<vmem_shared>> -> memref<10112x128xf32, #tpu.memory_space<vmem_shared>>
        tpu.wait_indirect_dma semaphore(%run_scoped3A : memref<!tpu.dma_semaphore, #tpu.memory_space<semaphore_mem>>) src(%arg10 : memref<128x128xf32, #tpu.memory_space<vmem>>) dst(%dma_wait3A_88 : memref<10112x128xf32, #tpu.memory_space<vmem_shared>>)
        tpu.yield
      }) : () -> ()
      %add3A_70 = arith.constant 2 : i32
      %add3A_71 = arith.addi %add3A_63, %add3A_70 : i32
      %lt3A_72 = arith.constant 40 : i32
      %lt3A_73 = arith.cmpi slt, %add3A_71, %lt3A_72 : i32
      %convert_element_type3A_74 = arith.extui %lt3A_73 : i1 to i32
      %cond3A_75 = arith.constant 0 : i32
      %cond3A_76 = arith.cmpi ne, %convert_element_type3A_74, %cond3A_75 : i32
      scf.if %cond3A_76 {
        %add3A_77 = arith.constant 2 : i32
        %add3A_78 = arith.addi %add3A_63, %add3A_77 : i32
        %dma_start3A_79 = arith.constant 0 : i32
        %dma_start3A_80 = tpu.memref_slice %arg7[%add3A_78, %dma_start3A_79] : memref<40x128xi32, #tpu.memory_space<vmem>> -> memref<1x128xi32, #tpu.memory_space<vmem>>
        %dma_start3A_81 = tpu.memref_squeeze %dma_start3A_80 : memref<1x128xi32, #tpu.memory_space<vmem>> -> memref<128xi32, #tpu.memory_space<vmem>>
        %dma_start3A_82 = arith.constant 0 : i32
        %dma_start3A_83 = arith.constant 0 : i32
        %dma_start3A_84 = tpu.memref_slice %arg2[%dma_start3A_82, %dma_start3A_83] : memref<10000x128xf32, #tpu.memory_space<hbm>> -> memref<10000x128xf32, #tpu.memory_space<hbm>>
        tpu.enqueue_indirect_dma source(%dma_start3A_84 : memref<10000x128xf32, #tpu.memory_space<hbm>>) target(%arg10 : memref<128x128xf32, #tpu.memory_space<vmem>>) offsets(%dma_start3A_81 : memref<128xi32, #tpu.memory_space<vmem>>) semaphore(%arg13 : memref<!tpu.dma_semaphore, #tpu.memory_space<semaphore_mem>>)
      } else {
      }
    }
    %scan3A_21 = arith.constant 20 : i32
    "tpu.region"() ({
      %run_scoped3A = tpu.sem_alloc : memref<!tpu.dma_semaphore, #tpu.memory_space<semaphore_mem>>
      %dma_start3A_46 = arith.constant 40 : i32
      %dma_start3A_47 = arith.constant 0 : i32
      %dma_start3A_48 = tpu.memref_slice %arg3[%add3A, %dma_start3A_46, %dma_start3A_47] : memref<32x80x128xi32, #tpu.memory_space<hbm>> -> memref<1x40x128xi32, #tpu.memory_space<hbm>>
      %dma_start3A_49 = tpu.memref_squeeze %dma_start3A_48 : memref<1x40x128xi32, #tpu.memory_space<hbm>> -> memref<40x128xi32, #tpu.memory_space<hbm>>
      %dma_start3A_50 = arith.constant 40 : i32
      %dma_start3A_51 = arith.constant 0 : i32
      %dma_start3A_52 = tpu.memref_slice %arg3[%add3A, %dma_start3A_50, %dma_start3A_51] : memref<32x80x128xi32, #tpu.memory_space<hbm>> -> memref<1x40x128xi32, #tpu.memory_space<hbm>>
      %dma_start3A_53 = tpu.memref_squeeze %dma_start3A_52 : memref<1x40x128xi32, #tpu.memory_space<hbm>> -> memref<40x128xi32, #tpu.memory_space<hbm>>
      tpu.enqueue_dma source(%dma_start3A_53 : memref<40x128xi32, #tpu.memory_space<hbm>>) target(%arg7 : memref<40x128xi32, #tpu.memory_space<vmem>>) target_semaphore(%run_scoped3A : memref<!tpu.dma_semaphore, #tpu.memory_space<semaphore_mem>>)
      %dma_wait3A = arith.constant 40 : i32
      %dma_wait3A_54 = arith.constant 0 : i32
      %dma_wait3A_55 = tpu.memref_slice %arg3[%add3A, %dma_wait3A, %dma_wait3A_54] : memref<32x80x128xi32, #tpu.memory_space<hbm>> -> memref<1x40x128xi32, #tpu.memory_space<hbm>>
      %dma_wait3A_56 = tpu.memref_squeeze %dma_wait3A_55 : memref<1x40x128xi32, #tpu.memory_space<hbm>> -> memref<40x128xi32, #tpu.memory_space<hbm>>
      %dma_wait3A_57 = arith.constant 40 : i32
      %dma_wait3A_58 = arith.constant 0 : i32
      %dma_wait3A_59 = tpu.memref_slice %arg3[%add3A, %dma_wait3A_57, %dma_wait3A_58] : memref<32x80x128xi32, #tpu.memory_space<hbm>> -> memref<1x40x128xi32, #tpu.memory_space<hbm>>
      %dma_wait3A_60 = tpu.memref_squeeze %dma_wait3A_59 : memref<1x40x128xi32, #tpu.memory_space<hbm>> -> memref<40x128xi32, #tpu.memory_space<hbm>>
      tpu.wait_dma2 semaphore(%run_scoped3A : memref<!tpu.dma_semaphore, #tpu.memory_space<semaphore_mem>>) src(%dma_wait3A_60 : memref<40x128xi32, #tpu.memory_space<hbm>>) dst(%arg7 : memref<40x128xi32, #tpu.memory_space<vmem>>)
      tpu.yield
    }) : () -> ()
    "tpu.region"() ({
      %run_scoped3A = tpu.sem_alloc : memref<!tpu.dma_semaphore, #tpu.memory_space<semaphore_mem>>
      %dma_start3A_46 = arith.constant 40 : i32
      %dma_start3A_47 = arith.constant 0 : i32
      %dma_start3A_48 = tpu.memref_slice %arg4[%add3A, %dma_start3A_46, %dma_start3A_47] : memref<32x80x128xi32, #tpu.memory_space<hbm>> -> memref<1x40x128xi32, #tpu.memory_space<hbm>>
      %dma_start3A_49 = tpu.memref_squeeze %dma_start3A_48 : memref<1x40x128xi32, #tpu.memory_space<hbm>> -> memref<40x128xi32, #tpu.memory_space<hbm>>
      %dma_start3A_50 = arith.constant 40 : i32
      %dma_start3A_51 = arith.constant 0 : i32
      %dma_start3A_52 = tpu.memref_slice %arg4[%add3A, %dma_start3A_50, %dma_start3A_51] : memref<32x80x128xi32, #tpu.memory_space<hbm>> -> memref<1x40x128xi32, #tpu.memory_space<hbm>>
      %dma_start3A_53 = tpu.memref_squeeze %dma_start3A_52 : memref<1x40x128xi32, #tpu.memory_space<hbm>> -> memref<40x128xi32, #tpu.memory_space<hbm>>
      tpu.enqueue_dma source(%dma_start3A_53 : memref<40x128xi32, #tpu.memory_space<hbm>>) target(%arg8 : memref<40x128xi32, #tpu.memory_space<vmem>>) target_semaphore(%run_scoped3A : memref<!tpu.dma_semaphore, #tpu.memory_space<semaphore_mem>>)
      %dma_wait3A = arith.constant 40 : i32
      %dma_wait3A_54 = arith.constant 0 : i32
      %dma_wait3A_55 = tpu.memref_slice %arg4[%add3A, %dma_wait3A, %dma_wait3A_54] : memref<32x80x128xi32, #tpu.memory_space<hbm>> -> memref<1x40x128xi32, #tpu.memory_space<hbm>>
      %dma_wait3A_56 = tpu.memref_squeeze %dma_wait3A_55 : memref<1x40x128xi32, #tpu.memory_space<hbm>> -> memref<40x128xi32, #tpu.memory_space<hbm>>
      %dma_wait3A_57 = arith.constant 40 : i32
      %dma_wait3A_58 = arith.constant 0 : i32
      %dma_wait3A_59 = tpu.memref_slice %arg4[%add3A, %dma_wait3A_57, %dma_wait3A_58] : memref<32x80x128xi32, #tpu.memory_space<hbm>> -> memref<1x40x128xi32, #tpu.memory_space<hbm>>
      %dma_wait3A_60 = tpu.memref_squeeze %dma_wait3A_59 : memref<1x40x128xi32, #tpu.memory_space<hbm>> -> memref<40x128xi32, #tpu.memory_space<hbm>>
      tpu.wait_dma2 semaphore(%run_scoped3A : memref<!tpu.dma_semaphore, #tpu.memory_space<semaphore_mem>>) src(%dma_wait3A_60 : memref<40x128xi32, #tpu.memory_space<hbm>>) dst(%arg8 : memref<40x128xi32, #tpu.memory_space<vmem>>)
      tpu.yield
    }) : () -> ()
    %dma_start3A_22 = arith.constant 0 : i32
    %dma_start3A_23 = arith.constant 0 : i32
    %dma_start3A_24 = tpu.memref_slice %arg7[%dma_start3A_22, %dma_start3A_23] : memref<40x128xi32, #tpu.memory_space<vmem>> -> memref<1x128xi32, #tpu.memory_space<vmem>>
    %dma_start3A_25 = tpu.memref_squeeze %dma_start3A_24 : memref<1x128xi32, #tpu.memory_space<vmem>> -> memref<128xi32, #tpu.memory_space<vmem>>
    %dma_start3A_26 = arith.constant 0 : i32
    %dma_start3A_27 = arith.constant 0 : i32
    %dma_start3A_28 = tpu.memref_slice %arg2[%dma_start3A_26, %dma_start3A_27] : memref<10000x128xf32, #tpu.memory_space<hbm>> -> memref<10000x128xf32, #tpu.memory_space<hbm>>
    tpu.enqueue_indirect_dma source(%dma_start3A_28 : memref<10000x128xf32, #tpu.memory_space<hbm>>) target(%arg9 : memref<128x128xf32, #tpu.memory_space<vmem>>) offsets(%dma_start3A_25 : memref<128xi32, #tpu.memory_space<vmem>>) semaphore(%arg12 : memref<!tpu.dma_semaphore, #tpu.memory_space<semaphore_mem>>)
    %dma_start3A_29 = arith.constant 1 : i32
    %dma_start3A_30 = arith.constant 0 : i32
    %dma_start3A_31 = tpu.memref_slice %arg7[%dma_start3A_29, %dma_start3A_30] : memref<40x128xi32, #tpu.memory_space<vmem>> -> memref<1x128xi32, #tpu.memory_space<vmem>>
    %dma_start3A_32 = tpu.memref_squeeze %dma_start3A_31 : memref<1x128xi32, #tpu.memory_space<vmem>> -> memref<128xi32, #tpu.memory_space<vmem>>
    %dma_start3A_33 = arith.constant 0 : i32
    %dma_start3A_34 = arith.constant 0 : i32
    %dma_start3A_35 = tpu.memref_slice %arg2[%dma_start3A_33, %dma_start3A_34] : memref<10000x128xf32, #tpu.memory_space<hbm>> -> memref<10000x128xf32, #tpu.memory_space<hbm>>
    tpu.enqueue_indirect_dma source(%dma_start3A_35 : memref<10000x128xf32, #tpu.memory_space<hbm>>) target(%arg10 : memref<128x128xf32, #tpu.memory_space<vmem>>) offsets(%dma_start3A_32 : memref<128xi32, #tpu.memory_space<vmem>>) semaphore(%arg13 : memref<!tpu.dma_semaphore, #tpu.memory_space<semaphore_mem>>)
    %scan3A_36 = arith.constant 0 : i32
    %scan3A_37 = arith.constant 20 : i32
    %scan3A_38 = arith.addi %scan3A_36, %scan3A_37 : i32
    %scan3A_39 = arith.constant 1 : i32
    scf.for %scan3A_46 = %scan3A_36 to %scan3A_38 step %scan3A_39  : i32 {
      %mul3A_47 = arith.constant 2 : i32
      %mul3A_48 = arith.muli %scan3A_46, %mul3A_47 : i32
      %add3A_49 = arith.constant 0 : i32
      %add3A_50 = arith.addi %add3A_49, %mul3A_48 : i32
      %add3A_51 = arith.constant 0 : i32
      %add3A_52 = arith.addi %add3A_50, %add3A_51 : i32
      %dma_wait3A = arith.constant 0 : i32
      %dma_wait3A_53 = tpu.memref_slice %arg7[%add3A_52, %dma_wait3A] : memref<40x128xi32, #tpu.memory_space<vmem>> -> memref<1x128xi32, #tpu.memory_space<vmem>>
      %dma_wait3A_54 = tpu.memref_squeeze %dma_wait3A_53 : memref<1x128xi32, #tpu.memory_space<vmem>> -> memref<128xi32, #tpu.memory_space<vmem>>
      %dma_wait3A_55 = arith.constant 0 : i32
      %dma_wait3A_56 = arith.constant 0 : i32
      %dma_wait3A_57 = tpu.memref_slice %arg2[%dma_wait3A_55, %dma_wait3A_56] : memref<10000x128xf32, #tpu.memory_space<hbm>> -> memref<10000x128xf32, #tpu.memory_space<hbm>>
      tpu.wait_indirect_dma semaphore(%arg12 : memref<!tpu.dma_semaphore, #tpu.memory_space<semaphore_mem>>) src(%dma_wait3A_57 : memref<10000x128xf32, #tpu.memory_space<hbm>>) dst(%arg9 : memref<128x128xf32, #tpu.memory_space<vmem>>)
      "tpu.region"() ({
        %run_scoped3A = tpu.sem_alloc : memref<!tpu.dma_semaphore, #tpu.memory_space<semaphore_mem>>
        %dma_start3A_77 = arith.constant 0 : i32
        %dma_start3A_78 = tpu.memref_slice %arg8[%add3A_52, %dma_start3A_77] : memref<40x128xi32, #tpu.memory_space<vmem>> -> memref<1x128xi32, #tpu.memory_space<vmem>>
        %dma_start3A_79 = tpu.memref_squeeze %dma_start3A_78 : memref<1x128xi32, #tpu.memory_space<vmem>> -> memref<128xi32, #tpu.memory_space<vmem>>
        %dma_start3A_80 = arith.constant 0 : i32
        %dma_start3A_81 = arith.constant 0 : i32
        %dma_start3A_82 = tpu.memref_slice %arg11[%dma_start3A_80, %dma_start3A_81] : memref<10112x128xf32, #tpu.memory_space<vmem_shared>> -> memref<10112x128xf32, #tpu.memory_space<vmem_shared>>
        tpu.enqueue_indirect_dma source(%arg9 : memref<128x128xf32, #tpu.memory_space<vmem>>) target(%dma_start3A_82 : memref<10112x128xf32, #tpu.memory_space<vmem_shared>>) offsets(%dma_start3A_79 : memref<128xi32, #tpu.memory_space<vmem>>) semaphore(%run_scoped3A : memref<!tpu.dma_semaphore, #tpu.memory_space<semaphore_mem>>) {add = true}
        %dma_wait3A_83 = arith.constant 0 : i32
        %dma_wait3A_84 = tpu.memref_slice %arg8[%add3A_52, %dma_wait3A_83] : memref<40x128xi32, #tpu.memory_space<vmem>> -> memref<1x128xi32, #tpu.memory_space<vmem>>
        %dma_wait3A_85 = tpu.memref_squeeze %dma_wait3A_84 : memref<1x128xi32, #tpu.memory_space<vmem>> -> memref<128xi32, #tpu.memory_space<vmem>>
        %dma_wait3A_86 = arith.constant 0 : i32
        %dma_wait3A_87 = arith.constant 0 : i32
        %dma_wait3A_88 = tpu.memref_slice %arg11[%dma_wait3A_86, %dma_wait3A_87] : memref<10112x128xf32, #tpu.memory_space<vmem_shared>> -> memref<10112x128xf32, #tpu.memory_space<vmem_shared>>
        tpu.wait_indirect_dma semaphore(%run_scoped3A : memref<!tpu.dma_semaphore, #tpu.memory_space<semaphore_mem>>) src(%arg9 : memref<128x128xf32, #tpu.memory_space<vmem>>) dst(%dma_wait3A_88 : memref<10112x128xf32, #tpu.memory_space<vmem_shared>>)
        tpu.yield
      }) : () -> ()
      %add3A_58 = arith.constant 2 : i32
      %add3A_59 = arith.addi %add3A_52, %add3A_58 : i32
      %lt3A = arith.constant 40 : i32
      %lt3A_60 = arith.cmpi slt, %add3A_59, %lt3A : i32
      %convert_element_type3A = arith.extui %lt3A_60 : i1 to i32
      %cond3A = arith.constant 0 : i32
      %cond3A_61 = arith.cmpi ne, %convert_element_type3A, %cond3A : i32
      scf.if %cond3A_61 {
        %add3A_77 = arith.constant 2 : i32
        %add3A_78 = arith.addi %add3A_52, %add3A_77 : i32
        %dma_start3A_79 = arith.constant 0 : i32
        %dma_start3A_80 = tpu.memref_slice %arg7[%add3A_78, %dma_start3A_79] : memref<40x128xi32, #tpu.memory_space<vmem>> -> memref<1x128xi32, #tpu.memory_space<vmem>>
        %dma_start3A_81 = tpu.memref_squeeze %dma_start3A_80 : memref<1x128xi32, #tpu.memory_space<vmem>> -> memref<128xi32, #tpu.memory_space<vmem>>
        %dma_start3A_82 = arith.constant 0 : i32
        %dma_start3A_83 = arith.constant 0 : i32
        %dma_start3A_84 = tpu.memref_slice %arg2[%dma_start3A_82, %dma_start3A_83] : memref<10000x128xf32, #tpu.memory_space<hbm>> -> memref<10000x128xf32, #tpu.memory_space<hbm>>
        tpu.enqueue_indirect_dma source(%dma_start3A_84 : memref<10000x128xf32, #tpu.memory_space<hbm>>) target(%arg9 : memref<128x128xf32, #tpu.memory_space<vmem>>) offsets(%dma_start3A_81 : memref<128xi32, #tpu.memory_space<vmem>>) semaphore(%arg12 : memref<!tpu.dma_semaphore, #tpu.memory_space<semaphore_mem>>)
      } else {
      }
      %add3A_62 = arith.constant 1 : i32
      %add3A_63 = arith.addi %add3A_50, %add3A_62 : i32
      %dma_wait3A_64 = arith.constant 0 : i32
      %dma_wait3A_65 = tpu.memref_slice %arg7[%add3A_63, %dma_wait3A_64] : memref<40x128xi32, #tpu.memory_space<vmem>> -> memref<1x128xi32, #tpu.memory_space<vmem>>
      %dma_wait3A_66 = tpu.memref_squeeze %dma_wait3A_65 : memref<1x128xi32, #tpu.memory_space<vmem>> -> memref<128xi32, #tpu.memory_space<vmem>>
      %dma_wait3A_67 = arith.constant 0 : i32
      %dma_wait3A_68 = arith.constant 0 : i32
      %dma_wait3A_69 = tpu.memref_slice %arg2[%dma_wait3A_67, %dma_wait3A_68] : memref<10000x128xf32, #tpu.memory_space<hbm>> -> memref<10000x128xf32, #tpu.memory_space<hbm>>
      tpu.wait_indirect_dma semaphore(%arg13 : memref<!tpu.dma_semaphore, #tpu.memory_space<semaphore_mem>>) src(%dma_wait3A_69 : memref<10000x128xf32, #tpu.memory_space<hbm>>) dst(%arg10 : memref<128x128xf32, #tpu.memory_space<vmem>>)
      "tpu.region"() ({
        %run_scoped3A = tpu.sem_alloc : memref<!tpu.dma_semaphore, #tpu.memory_space<semaphore_mem>>
        %dma_start3A_77 = arith.constant 0 : i32
        %dma_start3A_78 = tpu.memref_slice %arg8[%add3A_63, %dma_start3A_77] : memref<40x128xi32, #tpu.memory_space<vmem>> -> memref<1x128xi32, #tpu.memory_space<vmem>>
        %dma_start3A_79 = tpu.memref_squeeze %dma_start3A_78 : memref<1x128xi32, #tpu.memory_space<vmem>> -> memref<128xi32, #tpu.memory_space<vmem>>
        %dma_start3A_80 = arith.constant 0 : i32
        %dma_start3A_81 = arith.constant 0 : i32
        %dma_start3A_82 = tpu.memref_slice %arg11[%dma_start3A_80, %dma_start3A_81] : memref<10112x128xf32, #tpu.memory_space<vmem_shared>> -> memref<10112x128xf32, #tpu.memory_space<vmem_shared>>
        tpu.enqueue_indirect_dma source(%arg10 : memref<128x128xf32, #tpu.memory_space<vmem>>) target(%dma_start3A_82 : memref<10112x128xf32, #tpu.memory_space<vmem_shared>>) offsets(%dma_start3A_79 : memref<128xi32, #tpu.memory_space<vmem>>) semaphore(%run_scoped3A : memref<!tpu.dma_semaphore, #tpu.memory_space<semaphore_mem>>) {add = true}
        %dma_wait3A_83 = arith.constant 0 : i32
        %dma_wait3A_84 = tpu.memref_slice %arg8[%add3A_63, %dma_wait3A_83] : memref<40x128xi32, #tpu.memory_space<vmem>> -> memref<1x128xi32, #tpu.memory_space<vmem>>
        %dma_wait3A_85 = tpu.memref_squeeze %dma_wait3A_84 : memref<1x128xi32, #tpu.memory_space<vmem>> -> memref<128xi32, #tpu.memory_space<vmem>>
        %dma_wait3A_86 = arith.constant 0 : i32
        %dma_wait3A_87 = arith.constant 0 : i32
        %dma_wait3A_88 = tpu.memref_slice %arg11[%dma_wait3A_86, %dma_wait3A_87] : memref<10112x128xf32, #tpu.memory_space<vmem_shared>> -> memref<10112x128xf32, #tpu.memory_space<vmem_shared>>
        tpu.wait_indirect_dma semaphore(%run_scoped3A : memref<!tpu.dma_semaphore, #tpu.memory_space<semaphore_mem>>) src(%arg10 : memref<128x128xf32, #tpu.memory_space<vmem>>) dst(%dma_wait3A_88 : memref<10112x128xf32, #tpu.memory_space<vmem_shared>>)
        tpu.yield
      }) : () -> ()
      %add3A_70 = arith.constant 2 : i32
      %add3A_71 = arith.addi %add3A_63, %add3A_70 : i32
      %lt3A_72 = arith.constant 40 : i32
      %lt3A_73 = arith.cmpi slt, %add3A_71, %lt3A_72 : i32
      %convert_element_type3A_74 = arith.extui %lt3A_73 : i1 to i32
      %cond3A_75 = arith.constant 0 : i32
      %cond3A_76 = arith.cmpi ne, %convert_element_type3A_74, %cond3A_75 : i32
      scf.if %cond3A_76 {
        %add3A_77 = arith.constant 2 : i32
        %add3A_78 = arith.addi %add3A_63, %add3A_77 : i32
        %dma_start3A_79 = arith.constant 0 : i32
        %dma_start3A_80 = tpu.memref_slice %arg7[%add3A_78, %dma_start3A_79] : memref<40x128xi32, #tpu.memory_space<vmem>> -> memref<1x128xi32, #tpu.memory_space<vmem>>
        %dma_start3A_81 = tpu.memref_squeeze %dma_start3A_80 : memref<1x128xi32, #tpu.memory_space<vmem>> -> memref<128xi32, #tpu.memory_space<vmem>>
        %dma_start3A_82 = arith.constant 0 : i32
        %dma_start3A_83 = arith.constant 0 : i32
        %dma_start3A_84 = tpu.memref_slice %arg2[%dma_start3A_82, %dma_start3A_83] : memref<10000x128xf32, #tpu.memory_space<hbm>> -> memref<10000x128xf32, #tpu.memory_space<hbm>>
        tpu.enqueue_indirect_dma source(%dma_start3A_84 : memref<10000x128xf32, #tpu.memory_space<hbm>>) target(%arg10 : memref<128x128xf32, #tpu.memory_space<vmem>>) offsets(%dma_start3A_81 : memref<128xi32, #tpu.memory_space<vmem>>) semaphore(%arg13 : memref<!tpu.dma_semaphore, #tpu.memory_space<semaphore_mem>>)
      } else {
      }
    }
    %scan3A_40 = arith.constant 20 : i32
    %barrier3A_41 = arith.constant 0 : index
    tpu.barrier barrier_id(%barrier3A_41)
    %mul3A_42 = arith.constant 632 : i32
    %mul3A_43 = arith.muli %arg1, %mul3A_42 : i32
    %mul3A_44 = arith.constant 632 : i32
    %mul3A_45 = arith.muli %arg1, %mul3A_44 : i32
    "tpu.region"() ({
      %run_scoped3A = tpu.sem_alloc : memref<!tpu.dma_semaphore, #tpu.memory_space<semaphore_mem>>
      %dma_start3A_46 = arith.constant 0 : i32
      %dma_start3A_47 = tpu.memref_slice %arg6[%arg0, %mul3A_45, %dma_start3A_46] : memref<2x10112x128xf32, #tpu.memory_space<hbm>> -> memref<1x632x128xf32, #tpu.memory_space<hbm>>
      %dma_start3A_48 = tpu.memref_squeeze %dma_start3A_47 : memref<1x632x128xf32, #tpu.memory_space<hbm>> -> memref<632x128xf32, #tpu.memory_space<hbm>>
      %dma_start3A_49 = arith.constant 0 : i32
      %dma_start3A_50 = tpu.memref_slice %arg11[%mul3A_43, %dma_start3A_49] : memref<10112x128xf32, #tpu.memory_space<vmem_shared>> -> memref<632x128xf32, #tpu.memory_space<vmem_shared>>
      tpu.enqueue_dma source(%dma_start3A_50 : memref<632x128xf32, #tpu.memory_space<vmem_shared>>) target(%dma_start3A_48 : memref<632x128xf32, #tpu.memory_space<hbm>>) target_semaphore(%run_scoped3A : memref<!tpu.dma_semaphore, #tpu.memory_space<semaphore_mem>>)
      %dma_wait3A = arith.constant 0 : i32
      %dma_wait3A_51 = tpu.memref_slice %arg6[%arg0, %mul3A_45, %dma_wait3A] : memref<2x10112x128xf32, #tpu.memory_space<hbm>> -> memref<1x632x128xf32, #tpu.memory_space<hbm>>
      %dma_wait3A_52 = tpu.memref_squeeze %dma_wait3A_51 : memref<1x632x128xf32, #tpu.memory_space<hbm>> -> memref<632x128xf32, #tpu.memory_space<hbm>>
      %dma_wait3A_53 = arith.constant 0 : i32
      %dma_wait3A_54 = tpu.memref_slice %arg11[%mul3A_43, %dma_wait3A_53] : memref<10112x128xf32, #tpu.memory_space<vmem_shared>> -> memref<632x128xf32, #tpu.memory_space<vmem_shared>>
      tpu.wait_dma2 semaphore(%run_scoped3A : memref<!tpu.dma_semaphore, #tpu.memory_space<semaphore_mem>>) src(%dma_wait3A_54 : memref<632x128xf32, #tpu.memory_space<vmem_shared>>) dst(%dma_wait3A_52 : memref<632x128xf32, #tpu.memory_space<hbm>>)
      tpu.yield
    }) : () -> ()
    return
  }
}

module attributes {stable_mosaic.version = 14 : i64} {
  func.func @_tc1a_body(%arg0: i32, %arg1: memref<1000x128xf32, #tpu.memory_space<vmem>>, %arg2: memref<128x128xf32, #tpu.memory_space<vmem>>, %arg3: memref<1000x128xf32, #tpu.memory_space<vmem>>) attributes {dimension_semantics = [#tpu.dimension_semantics<arbitrary>], iteration_bounds = array<i64: 10>, scalar_prefetch = 0 : i64, scratch_operands = 0 : i64, tpu.core_type = #tpu.core_type<tc>, window_params = [{transform_indices = @transform_0, window_bounds = array<i64: 1000, 128>}, {pipeline_mode = #tpu.pipeline_mode<synchronous>, transform_indices = @transform_1, window_bounds = array<i64: 128, 128>}, {transform_indices = @transform_2, window_bounds = array<i64: 1000, 128>}]} {
    %get3A = arith.constant 0 : index
    %get3A_0 = arith.constant 0 : index
    %get3A_1 = vector.load %arg1[%get3A, %get3A_0] : memref<1000x128xf32, #tpu.memory_space<vmem>>, vector<1000x128xf32>
    %get3A_2 = arith.constant 0 : index
    %get3A_3 = arith.constant 0 : index
    %get3A_4 = vector.load %arg2[%get3A_2, %get3A_3] : memref<128x128xf32, #tpu.memory_space<vmem>>, vector<128x128xf32>
    %dot_general3A = arith.constant dense<0.000000e+00> : vector<1000x128xf32>
    %dot_general3A_5 = tpu.matmul %get3A_1, %get3A_4, %dot_general3A {dimension_numbers = #tpu.dot_dimension_numbers<[1], [0], [0], [1], [0, 0, 1, 1], [], []>, precision = #tpu.contract_precision<fp32>, transpose_lhs_hint = false} : vector<1000x128xf32>, vector<128x128xf32>, vector<1000x128xf32> -> vector<1000x128xf32>
    %swap3A = arith.constant 0 : index
    %swap3A_6 = arith.constant 0 : index
    %swap3A_7 = vector.load %arg3[%swap3A, %swap3A_6] : memref<1000x128xf32, #tpu.memory_space<vmem>>, vector<1000x128xf32>
    tpu.vector_store %arg3[%swap3A, %swap3A_6], %dot_general3A_5 {strides = array<i32>} : memref<1000x128xf32, #tpu.memory_space<vmem>>, vector<1000x128xf32>,
    return
  }
  func.func @transform_0(%arg0: i32) -> (i32, i32) {
    %c0_i32 = arith.constant 0 : i32
    %c0_i32_0 = arith.constant 0 : i32
    return %arg0, %c0_i32 : i32, i32
  }
  func.func @transform_1(%arg0: i32) -> (i32, i32) {
    %c0_i32 = arith.constant 0 : i32
    %c0_i32_0 = arith.constant 0 : i32
    %c0_i32_1 = arith.constant 0 : i32
    return %c0_i32, %c0_i32_0 : i32, i32
  }
  func.func @transform_2(%arg0: i32) -> (i32, i32) {
    %c0_i32 = arith.constant 0 : i32
    %c0_i32_0 = arith.constant 0 : i32
    return %arg0, %c0_i32 : i32, i32
  }
}

module attributes {stable_mosaic.version = 14 : i64} {
  func.func @_tc1b_body(%arg0: i32, %arg1: memref<1000x128xf32, #tpu.memory_space<vmem>>, %arg2: memref<1000x128xf32, #tpu.memory_space<vmem>>, %arg3: memref<1000x128xf32, #tpu.memory_space<vmem>>, %arg4: memref<1000x128xf32, #tpu.memory_space<vmem>>, %arg5: memref<1000x8xf32, #tpu.memory_space<vmem>>) attributes {dimension_semantics = [#tpu.dimension_semantics<arbitrary>], iteration_bounds = array<i64: 10>, scalar_prefetch = 0 : i64, scratch_operands = 0 : i64, tpu.core_type = #tpu.core_type<tc>, window_params = [{transform_indices = @transform_0, window_bounds = array<i64: 1000, 128>}, {transform_indices = @transform_1, window_bounds = array<i64: 1000, 128>}, {transform_indices = @transform_2, window_bounds = array<i64: 1000, 128>}, {transform_indices = @transform_3, window_bounds = array<i64: 1000, 128>}, {transform_indices = @transform_4, window_bounds = array<i64: 1000, 8>}]} {
    %get3A = arith.constant 0 : index
    %get3A_0 = arith.constant 0 : index
    %get3A_1 = vector.load %arg2[%get3A, %get3A_0] : memref<1000x128xf32, #tpu.memory_space<vmem>>, vector<1000x1xf32>
    %get3A_2 = arith.constant 0 : index
    %get3A_3 = arith.constant 0 : index
    %get3A_4 = vector.load %arg3[%get3A_2, %get3A_3] : memref<1000x128xf32, #tpu.memory_space<vmem>>, vector<1000x1xf32>
    %add3A = arith.addf %get3A_1, %get3A_4 : vector<1000x1xf32>
    %add3A_5 = arith.constant 1.000000e+00 : f32
    %add3A_6 = vector.broadcast %add3A_5 : f32 to vector<1000x1xf32>
    %add3A_7 = arith.addf %add3A, %add3A_6 : vector<1000x1xf32>
    %rsqrt3A = math.rsqrt %add3A_7 : vector<1000x1xf32>
    %get3A_8 = arith.constant 0 : index
    %get3A_9 = arith.constant 0 : index
    %get3A_10 = vector.load %arg1[%get3A_8, %get3A_9] : memref<1000x128xf32, #tpu.memory_space<vmem>>, vector<1000x128xf32>
    %mul3A = vector.broadcast %rsqrt3A : vector<1000x1xf32> to vector<1000x128xf32>
    %mul3A_11 = arith.mulf %get3A_10, %mul3A : vector<1000x128xf32>
    %swap3A = arith.constant 0 : index
    %swap3A_12 = arith.constant 0 : index
    %swap3A_13 = vector.load %arg4[%swap3A, %swap3A_12] : memref<1000x128xf32, #tpu.memory_space<vmem>>, vector<1000x128xf32>
    tpu.vector_store %arg4[%swap3A, %swap3A_12], %mul3A_11 {strides = array<i32>} : memref<1000x128xf32, #tpu.memory_space<vmem>>, vector<1000x128xf32>,
    %broadcast_in_dim3A = vector.shape_cast %rsqrt3A : vector<1000x1xf32> to vector<1000x1xf32>
    %broadcast_in_dim3A_14 = vector.broadcast %broadcast_in_dim3A : vector<1000x1xf32> to vector<1000x8xf32>
    %swap3A_15 = arith.constant 0 : index
    %swap3A_16 = arith.constant 0 : index
    %swap3A_17 = vector.load %arg5[%swap3A_15, %swap3A_16] : memref<1000x8xf32, #tpu.memory_space<vmem>>, vector<1000x8xf32>
    tpu.vector_store %arg5[%swap3A_15, %swap3A_16], %broadcast_in_dim3A_14 {strides = array<i32>} : memref<1000x8xf32, #tpu.memory_space<vmem>>, vector<1000x8xf32>,
    return
  }
  func.func @transform_0(%arg0: i32) -> (i32, i32) {
    %c0_i32 = arith.constant 0 : i32
    %c0_i32_0 = arith.constant 0 : i32
    return %arg0, %c0_i32 : i32, i32
  }
  func.func @transform_1(%arg0: i32) -> (i32, i32) {
    %c0_i32 = arith.constant 0 : i32
    %c0_i32_0 = arith.constant 0 : i32
    return %arg0, %c0_i32 : i32, i32
  }
  func.func @transform_2(%arg0: i32) -> (i32, i32) {
    %c0_i32 = arith.constant 0 : i32
    %c0_i32_0 = arith.constant 0 : i32
    return %arg0, %c0_i32 : i32, i32
  }
  func.func @transform_3(%arg0: i32) -> (i32, i32) {
    %c0_i32 = arith.constant 0 : i32
    %c0_i32_0 = arith.constant 0 : i32
    return %arg0, %c0_i32 : i32, i32
  }
  func.func @transform_4(%arg0: i32) -> (i32, i32) {
    %c0_i32 = arith.constant 0 : i32
    %c0_i32_0 = arith.constant 0 : i32
    return %arg0, %c0_i32 : i32, i32
  }
}

module attributes {stable_mosaic.version = 14 : i64} {
  func.func @_tc2_body(%arg0: i32, %arg1: memref<1000x128xf32, #tpu.memory_space<vmem>>, %arg2: memref<1000x128xf32, #tpu.memory_space<vmem>>, %arg3: memref<1000x128xf32, #tpu.memory_space<vmem>>, %arg4: memref<1000x8xf32, #tpu.memory_space<vmem>>, %arg5: memref<1x128xf32, #tpu.memory_space<vmem>>, %arg6: memref<128x128xf32, #tpu.memory_space<vmem>>, %arg7: memref<1000x128xf32, #tpu.memory_space<vmem>>) attributes {dimension_semantics = [#tpu.dimension_semantics<arbitrary>], iteration_bounds = array<i64: 10>, scalar_prefetch = 0 : i64, scratch_operands = 0 : i64, tpu.core_type = #tpu.core_type<tc>, window_params = [{transform_indices = @transform_0, window_bounds = array<i64: 1000, 128>}, {transform_indices = @transform_1, window_bounds = array<i64: 1000, 128>}, {transform_indices = @transform_2, window_bounds = array<i64: 1000, 128>}, {transform_indices = @transform_3, window_bounds = array<i64: 1000, 8>}, {pipeline_mode = #tpu.pipeline_mode<synchronous>, transform_indices = @transform_4, window_bounds = array<i64: 1, 128>}, {pipeline_mode = #tpu.pipeline_mode<synchronous>, transform_indices = @transform_5, window_bounds = array<i64: 128, 128>}, {transform_indices = @transform_6, window_bounds = array<i64: 1000, 128>}]} {
    %get3A = arith.constant 0 : index
    %get3A_0 = arith.constant 0 : index
    %get3A_1 = vector.load %arg4[%get3A, %get3A_0] : memref<1000x8xf32, #tpu.memory_space<vmem>>, vector<1000x1xf32>
    %get3A_2 = arith.constant 0 : index
    %get3A_3 = arith.constant 0 : index
    %get3A_4 = vector.load %arg1[%get3A_2, %get3A_3] : memref<1000x128xf32, #tpu.memory_space<vmem>>, vector<1000x128xf32>
    %get3A_5 = arith.constant 0 : index
    %get3A_6 = arith.constant 0 : index
    %get3A_7 = vector.load %arg2[%get3A_5, %get3A_6] : memref<1000x128xf32, #tpu.memory_space<vmem>>, vector<1000x128xf32>
    %add3A = arith.addf %get3A_4, %get3A_7 : vector<1000x128xf32>
    %get3A_8 = arith.constant 0 : index
    %get3A_9 = arith.constant 0 : index
    %get3A_10 = vector.load %arg3[%get3A_8, %get3A_9] : memref<1000x128xf32, #tpu.memory_space<vmem>>, vector<1000x128xf32>
    %add3A_11 = arith.addf %add3A, %get3A_10 : vector<1000x128xf32>
    %mul3A = vector.broadcast %get3A_1 : vector<1000x1xf32> to vector<1000x128xf32>
    %mul3A_12 = arith.mulf %mul3A, %add3A_11 : vector<1000x128xf32>
    %get3A_13 = arith.constant 0 : index
    %get3A_14 = arith.constant 0 : index
    %get3A_15 = vector.load %arg5[%get3A_13, %get3A_14] : memref<1x128xf32, #tpu.memory_space<vmem>>, vector<1x128xf32>
    %add3A_16 = vector.broadcast %get3A_15 : vector<1x128xf32> to vector<1000x128xf32>
    %add3A_17 = arith.addf %mul3A_12, %add3A_16 : vector<1000x128xf32>
    %max3A = arith.constant 0.000000e+00 : f32
    %max3A_18 = vector.broadcast %max3A : f32 to vector<1000x128xf32>
    %max3A_19 = arith.maximumf %add3A_17, %max3A_18 : vector<1000x128xf32>
    %get3A_20 = arith.constant 0 : index
    %get3A_21 = arith.constant 0 : index
    %get3A_22 = vector.load %arg6[%get3A_20, %get3A_21] : memref<128x128xf32, #tpu.memory_space<vmem>>, vector<128x128xf32>
    %dot_general3A = arith.constant dense<0.000000e+00> : vector<1000x128xf32>
    %dot_general3A_23 = tpu.matmul %max3A_19, %get3A_22, %dot_general3A {dimension_numbers = #tpu.dot_dimension_numbers<[1], [0], [0], [1], [0, 0, 1, 1], [], []>, precision = #tpu.contract_precision<fp32>, transpose_lhs_hint = false} : vector<1000x128xf32>, vector<128x128xf32>, vector<1000x128xf32> -> vector<1000x128xf32>
    %mul3A_24 = vector.broadcast %get3A_1 : vector<1000x1xf32> to vector<1000x128xf32>
    %mul3A_25 = arith.mulf %dot_general3A_23, %mul3A_24 : vector<1000x128xf32>
    %swap3A = arith.constant 0 : index
    %swap3A_26 = arith.constant 0 : index
    %swap3A_27 = vector.load %arg7[%swap3A, %swap3A_26] : memref<1000x128xf32, #tpu.memory_space<vmem>>, vector<1000x128xf32>
    tpu.vector_store %arg7[%swap3A, %swap3A_26], %mul3A_25 {strides = array<i32>} : memref<1000x128xf32, #tpu.memory_space<vmem>>, vector<1000x128xf32>,
    return
  }
  func.func @transform_0(%arg0: i32) -> (i32, i32) {
    %c0_i32 = arith.constant 0 : i32
    %c0_i32_0 = arith.constant 0 : i32
    return %arg0, %c0_i32 : i32, i32
  }
  func.func @transform_1(%arg0: i32) -> (i32, i32) {
    %c0_i32 = arith.constant 0 : i32
    %c0_i32_0 = arith.constant 0 : i32
    return %arg0, %c0_i32 : i32, i32
  }
  func.func @transform_2(%arg0: i32) -> (i32, i32) {
    %c0_i32 = arith.constant 0 : i32
    %c0_i32_0 = arith.constant 0 : i32
    return %arg0, %c0_i32 : i32, i32
  }
  func.func @transform_3(%arg0: i32) -> (i32, i32) {
    %c0_i32 = arith.constant 0 : i32
    %c0_i32_0 = arith.constant 0 : i32
    return %arg0, %c0_i32 : i32, i32
  }
  func.func @transform_4(%arg0: i32) -> (i32, i32) {
    %c0_i32 = arith.constant 0 : i32
    %c0_i32_0 = arith.constant 0 : i32
    %c0_i32_1 = arith.constant 0 : i32
    return %c0_i32, %c0_i32_0 : i32, i32
  }
  func.func @transform_5(%arg0: i32) -> (i32, i32) {
    %c0_i32 = arith.constant 0 : i32
    %c0_i32_0 = arith.constant 0 : i32
    %c0_i32_1 = arith.constant 0 : i32
    return %c0_i32, %c0_i32_0 : i32, i32
  }
  func.func @transform_6(%arg0: i32) -> (i32, i32) {
    %c0_i32 = arith.constant 0 : i32
    %c0_i32_0 = arith.constant 0 : i32
    return %arg0, %c0_i32 : i32, i32
  }
}

module attributes {stable_mosaic.version = 14 : i64} {
  func.func @_tc3_body(%arg0: i32, %arg1: memref<1000x128xf32, #tpu.memory_space<vmem>>, %arg2: memref<1000x128xf32, #tpu.memory_space<vmem>>, %arg3: memref<1000x128xf32, #tpu.memory_space<vmem>>, %arg4: memref<1000x8xf32, #tpu.memory_space<vmem>>, %arg5: memref<1x128xf32, #tpu.memory_space<vmem>>, %arg6: memref<1000x1xi32, #tpu.memory_space<vmem>>, %arg7: memref<1000x128xf32, #tpu.memory_space<vmem>>, %arg8: memref<64x128xf32, #tpu.memory_space<vmem>>, %arg9: memref<64x128xf32, #tpu.memory_space<vmem>>, %arg10: memref<64x8xf32, #tpu.memory_space<vmem>>) attributes {dimension_semantics = [#tpu.dimension_semantics<arbitrary>], iteration_bounds = array<i64: 10>, scalar_prefetch = 0 : i64, scratch_operands = 2 : i64, tpu.core_type = #tpu.core_type<tc>, window_params = [{transform_indices = @transform_0, window_bounds = array<i64: 1000, 128>}, {transform_indices = @transform_1, window_bounds = array<i64: 1000, 128>}, {transform_indices = @transform_2, window_bounds = array<i64: 1000, 128>}, {transform_indices = @transform_3, window_bounds = array<i64: 1000, 8>}, {pipeline_mode = #tpu.pipeline_mode<synchronous>, transform_indices = @transform_4, window_bounds = array<i64: 1, 128>}, {transform_indices = @transform_5, window_bounds = array<i64: 1000, 1>}, {transform_indices = @transform_6, window_bounds = array<i64: 1000, 128>}, {pipeline_mode = #tpu.pipeline_mode<synchronous>, transform_indices = @transform_7, window_bounds = array<i64: 64, 128>}]} {
    %get3A = arith.constant 0 : index
    %get3A_0 = arith.constant 0 : index
    %get3A_1 = vector.load %arg4[%get3A, %get3A_0] : memref<1000x8xf32, #tpu.memory_space<vmem>>, vector<1000x1xf32>
    %get3A_2 = arith.constant 0 : index
    %get3A_3 = arith.constant 0 : index
    %get3A_4 = vector.load %arg1[%get3A_2, %get3A_3] : memref<1000x128xf32, #tpu.memory_space<vmem>>, vector<1000x128xf32>
    %get3A_5 = arith.constant 0 : index
    %get3A_6 = arith.constant 0 : index
    %get3A_7 = vector.load %arg2[%get3A_5, %get3A_6] : memref<1000x128xf32, #tpu.memory_space<vmem>>, vector<1000x128xf32>
    %add3A = arith.addf %get3A_4, %get3A_7 : vector<1000x128xf32>
    %get3A_8 = arith.constant 0 : index
    %get3A_9 = arith.constant 0 : index
    %get3A_10 = vector.load %arg3[%get3A_8, %get3A_9] : memref<1000x128xf32, #tpu.memory_space<vmem>>, vector<1000x128xf32>
    %add3A_11 = arith.addf %add3A, %get3A_10 : vector<1000x128xf32>
    %mul3A = vector.broadcast %get3A_1 : vector<1000x1xf32> to vector<1000x128xf32>
    %mul3A_12 = arith.mulf %mul3A, %add3A_11 : vector<1000x128xf32>
    %get3A_13 = arith.constant 0 : index
    %get3A_14 = arith.constant 0 : index
    %get3A_15 = vector.load %arg5[%get3A_13, %get3A_14] : memref<1x128xf32, #tpu.memory_space<vmem>>, vector<1x128xf32>
    %add3A_16 = vector.broadcast %get3A_15 : vector<1x128xf32> to vector<1000x128xf32>
    %add3A_17 = arith.addf %mul3A_12, %add3A_16 : vector<1000x128xf32>
    %max3A = arith.constant 0.000000e+00 : f32
    %max3A_18 = vector.broadcast %max3A : f32 to vector<1000x128xf32>
    %max3A_19 = arith.maximumf %add3A_17, %max3A_18 : vector<1000x128xf32>
    %swap3A = arith.constant 0 : index
    %swap3A_20 = arith.constant 0 : index
    %swap3A_21 = vector.load %arg7[%swap3A, %swap3A_20] : memref<1000x128xf32, #tpu.memory_space<vmem>>, vector<1000x128xf32>
    tpu.vector_store %arg7[%swap3A, %swap3A_20], %max3A_19 {strides = array<i32>} : memref<1000x128xf32, #tpu.memory_space<vmem>>, vector<1000x128xf32>,
    %get3A_22 = arith.constant 0 : index
    %get3A_23 = arith.constant 0 : index
    %get3A_24 = vector.load %arg6[%get3A_22, %get3A_23] : memref<1000x1xi32, #tpu.memory_space<vmem>>, vector<1000x1xi32>
    %iota3A = tpu.iota {dimensions = array<i32: 1>} : vector<1000x64xi32>
    %eq3A = vector.broadcast %get3A_24 : vector<1000x1xi32> to vector<1000x64xi32>
    %eq3A_25 = arith.cmpi eq, %eq3A, %iota3A : vector<1000x64xi32>
    %convert_element_type3A = arith.extui %eq3A_25 : vector<1000x64xi1> to vector<1000x64xi32>
    %convert_element_type3A_26 = arith.sitofp %convert_element_type3A : vector<1000x64xi32> to vector<1000x64xf32>
    %dot_general3A = arith.constant dense<0.000000e+00> : vector<64x128xf32>
    %dot_general3A_27 = tpu.matmul %convert_element_type3A_26, %max3A_19, %dot_general3A {dimension_numbers = #tpu.dot_dimension_numbers<[0], [0], [1], [1], [0, 1, 1, 1], [], []>, precision = #tpu.contract_precision<fp32>, transpose_lhs_hint = false} : vector<1000x64xf32>, vector<1000x128xf32>, vector<64x128xf32> -> vector<64x128xf32>
    %reduce_sum3A = arith.constant dense<0.000000e+00> : vector<64xf32>
    %reduce_sum3A_28 = vector.multi_reduction <add>, %convert_element_type3A_26, %reduce_sum3A [0] : vector<1000x64xf32> to vector<64xf32>
    %broadcast_in_dim3A = vector.shape_cast %reduce_sum3A_28 : vector<64xf32> to vector<64x1xf32>
    %eq3A_29 = arith.constant 0 : i32
    %eq3A_30 = arith.cmpi eq, %arg0, %eq3A_29 : i32
    %convert_element_type3A_31 = arith.extui %eq3A_30 : i1 to i32
    %cond3A = arith.constant 0 : i32
    %cond3A_32 = arith.cmpi ne, %convert_element_type3A_31, %cond3A : i32
    scf.if %cond3A_32 {
      %broadcast_in_dim3A_62 = arith.constant 0.000000e+00 : f32
      %broadcast_in_dim3A_63 = vector.broadcast %broadcast_in_dim3A_62 : f32 to vector<64x128xf32>
      %swap3A_64 = arith.constant 0 : index
      %swap3A_65 = arith.constant 0 : index
      %swap3A_66 = vector.load %arg9[%swap3A_64, %swap3A_65] : memref<64x128xf32, #tpu.memory_space<vmem>>, vector<64x128xf32>
      tpu.vector_store %arg9[%swap3A_64, %swap3A_65], %broadcast_in_dim3A_63 {strides = array<i32>} : memref<64x128xf32, #tpu.memory_space<vmem>>, vector<64x128xf32>,
      %broadcast_in_dim3A_67 = arith.constant 0.000000e+00 : f32
      %broadcast_in_dim3A_68 = vector.broadcast %broadcast_in_dim3A_67 : f32 to vector<64x8xf32>
      %swap3A_69 = arith.constant 0 : index
      %swap3A_70 = arith.constant 0 : index
      %swap3A_71 = vector.load %arg10[%swap3A_69, %swap3A_70] : memref<64x8xf32, #tpu.memory_space<vmem>>, vector<64x8xf32>
      tpu.vector_store %arg10[%swap3A_69, %swap3A_70], %broadcast_in_dim3A_68 {strides = array<i32>} : memref<64x8xf32, #tpu.memory_space<vmem>>, vector<64x8xf32>,
    } else {
    }
    %get3A_33 = arith.constant 0 : index
    %get3A_34 = arith.constant 0 : index
    %get3A_35 = vector.load %arg9[%get3A_33, %get3A_34] : memref<64x128xf32, #tpu.memory_space<vmem>>, vector<64x128xf32>
    %add3A_36 = arith.addf %get3A_35, %dot_general3A_27 : vector<64x128xf32>
    %swap3A_37 = arith.constant 0 : index
    %swap3A_38 = arith.constant 0 : index
    %swap3A_39 = vector.load %arg9[%swap3A_37, %swap3A_38] : memref<64x128xf32, #tpu.memory_space<vmem>>, vector<64x128xf32>
    tpu.vector_store %arg9[%swap3A_37, %swap3A_38], %add3A_36 {strides = array<i32>} : memref<64x128xf32, #tpu.memory_space<vmem>>, vector<64x128xf32>,
    %get3A_40 = arith.constant 0 : index
    %get3A_41 = arith.constant 0 : index
    %get3A_42 = vector.load %arg10[%get3A_40, %get3A_41] : memref<64x8xf32, #tpu.memory_space<vmem>>, vector<64x8xf32>
    %broadcast_in_dim3A_43 = vector.shape_cast %broadcast_in_dim3A : vector<64x1xf32> to vector<64x1xf32>
    %broadcast_in_dim3A_44 = vector.broadcast %broadcast_in_dim3A_43 : vector<64x1xf32> to vector<64x8xf32>
    %add3A_45 = arith.addf %get3A_42, %broadcast_in_dim3A_44 : vector<64x8xf32>
    %swap3A_46 = arith.constant 0 : index
    %swap3A_47 = arith.constant 0 : index
    %swap3A_48 = vector.load %arg10[%swap3A_46, %swap3A_47] : memref<64x8xf32, #tpu.memory_space<vmem>>, vector<64x8xf32>
    tpu.vector_store %arg10[%swap3A_46, %swap3A_47], %add3A_45 {strides = array<i32>} : memref<64x8xf32, #tpu.memory_space<vmem>>, vector<64x8xf32>,
    %get3A_49 = arith.constant 0 : index
    %get3A_50 = arith.constant 0 : index
    %get3A_51 = vector.load %arg9[%get3A_49, %get3A_50] : memref<64x128xf32, #tpu.memory_space<vmem>>, vector<64x128xf32>
    %get3A_52 = arith.constant 0 : index
    %get3A_53 = arith.constant 0 : index
    %get3A_54 = vector.load %arg10[%get3A_52, %get3A_53] : memref<64x8xf32, #tpu.memory_space<vmem>>, vector<64x1xf32>
    %max3A_55 = arith.constant 1.000000e+00 : f32
    %max3A_56 = vector.broadcast %max3A_55 : f32 to vector<64x1xf32>
    %max3A_57 = arith.maximumf %get3A_54, %max3A_56 : vector<64x1xf32>
    %div3A = vector.broadcast %max3A_57 : vector<64x1xf32> to vector<64x128xf32>
    %div3A_58 = arith.divf %get3A_51, %div3A : vector<64x128xf32>
    %swap3A_59 = arith.constant 0 : index
    %swap3A_60 = arith.constant 0 : index
    %swap3A_61 = vector.load %arg8[%swap3A_59, %swap3A_60] : memref<64x128xf32, #tpu.memory_space<vmem>>, vector<64x128xf32>
    tpu.vector_store %arg8[%swap3A_59, %swap3A_60], %div3A_58 {strides = array<i32>} : memref<64x128xf32, #tpu.memory_space<vmem>>, vector<64x128xf32>,
    return
  }
  func.func @transform_0(%arg0: i32) -> (i32, i32) {
    %c0_i32 = arith.constant 0 : i32
    %c0_i32_0 = arith.constant 0 : i32
    return %arg0, %c0_i32 : i32, i32
  }
  func.func @transform_1(%arg0: i32) -> (i32, i32) {
    %c0_i32 = arith.constant 0 : i32
    %c0_i32_0 = arith.constant 0 : i32
    return %arg0, %c0_i32 : i32, i32
  }
  func.func @transform_2(%arg0: i32) -> (i32, i32) {
    %c0_i32 = arith.constant 0 : i32
    %c0_i32_0 = arith.constant 0 : i32
    return %arg0, %c0_i32 : i32, i32
  }
  func.func @transform_3(%arg0: i32) -> (i32, i32) {
    %c0_i32 = arith.constant 0 : i32
    %c0_i32_0 = arith.constant 0 : i32
    return %arg0, %c0_i32 : i32, i32
  }
  func.func @transform_4(%arg0: i32) -> (i32, i32) {
    %c0_i32 = arith.constant 0 : i32
    %c0_i32_0 = arith.constant 0 : i32
    %c0_i32_1 = arith.constant 0 : i32
    return %c0_i32, %c0_i32_0 : i32, i32
  }
  func.func @transform_5(%arg0: i32) -> (i32, i32) {
    %c0_i32 = arith.constant 0 : i32
    %c0_i32_0 = arith.constant 0 : i32
    return %arg0, %c0_i32 : i32, i32
  }
  func.func @transform_6(%arg0: i32) -> (i32, i32) {
    %c0_i32 = arith.constant 0 : i32
    %c0_i32_0 = arith.constant 0 : i32
    return %arg0, %c0_i32 : i32, i32
  }
  func.func @transform_7(%arg0: i32) -> (i32, i32) {
    %c0_i32 = arith.constant 0 : i32
    %c0_i32_0 = arith.constant 0 : i32
    %c0_i32_1 = arith.constant 0 : i32
    return %c0_i32, %c0_i32_0 : i32, i32
  }
}

</mosaic_0001>

<sc_bundles>
// kernel: kernel.12.cloned.1.call-start
scs
__scs_entry_jumppad:
0x0: {  	(pc) =	sbr.rel $0x88, $3  }
0x1: {  	(tag) =	ssettag $0x0;
	lr =	simm.s32 $0x1  }
0x2: {  	[smem:$0x3F9A] =	sst lr;
	_ =	strace $0xD0000000  }
0x3: {  	_ = 	snop  }
0x4: {  	_ = 	snop  }
0x5: {  	_ = 	snop  }
0x6: {  	_ = 	snop  }
0x7: {  	_ = 	snop  }
__scs_overlays_trampoline_lowered:
0x8: {  	[smem:$0x3FA9] =	sst s0  }
0x9: {  	[smem:$0x3FAA] =	sst s1  }
0xa: {  	[smem:$0x3FAB] =	sst s2  }
0xb: {  	[smem:$0x3FAC] =	sst s3  }
0xc: {  	[smem:$0x3FAD] =	sst s4  }
0xd: {  	[smem:$0x3FAE] =	sst s5  }
0xe: {  	[smem:$0x3FAF] =	sst s6  }
0xf: {  	[smem:$0x3FB0] =	sst s7  }
0x10: {  	[smem:$0x3FB1] =	sst s8  }
0x11: {  	[smem:$0x3FB2] =	sst s9;
	s0 =	simm.s32 @!p0 $0x0  }
0x12: {  	s1 =	sld [smem:$0x3F98];
	s0 =	simm.s32 @p0 $0x1  }
0x13: {  	[smem:$0x3FB3] =	sst s0;
	s0 =	simm.s32 @!p1 $0x0  }
0x14: {  	s2 =	sld [smem:$0x3F97];
	s0 =	simm.s32 @p1 $0x1  }
0x15: {  	[smem:$0x3FB4] =	sst s0;
	s0 =	simm.s32 @!p2 $0x0  }
0x16: {  	s3 =	sld [smem:$0x3FDB];
	s0 =	simm.s32 @p2 $0x1  }
0x17: {  	s4 =	simm.s32 $0x1BF5;
	[smem:$0x3FB6] =	sst s0  }
0x18: {  	s0 =	sld [smem:$0x3F99];
	_ =	swait.ge [sflag:s4], $0x0  }
0x19: {  	s7 =	sld [smem:$0x3F9A]  }
0x1a: {  	s8 =	sadd.s32 $0xFFFFE003, lr  }
0x1b: {  	s9 =	sadd.s32 $0xFFFFFEF7, lr;
	s5 =	simm.s32 $0xFFFFFFFF;
	p2 =	slt.u32 s8, $0xFFFFF086  }
0x1c: {  	p1 =	slt.u32 s9, $0xF7A;
	s5 =	simm.s32 @!p2 $0x0  }
0x1d: {  	s5 =	simm.s32 @p1 $0x1;
	p0 =	seq.s32 s7, s2  }
0x1e: {  	s7 =	smul.u32 @!p0 $0xF7A, s2;
	p2 =	seq.s32 @!p0 s5, $0x0  }
0x1f: {  	s9 =	smul.u32 $0xF7A, s1;
	s8 =	simm.s32 @!p0 $0x1BF5;
	p2 =	por !p2, p0  }
0x20: {  	[sflag:s8] =	ssyncset.s32 @!p0 $0xFFFFF086;
	s6 =	sadd.s32 @!p0 s3, s7;
	s7 =	simm.s32 @!p0 $0x108  }
0x21: {  	s3 =	sadd.s32 s3, s9;
	s6 =	sadd.s32 @!p0 $0x88, s6;
	s7 =	simm.s32 @p2 $0x1082  }
0x22: {  	[simem:s7], [sflag:s8] =	dma.local @!p0 [hbm:s6], $0xF7A  }
0x23: {  	s9 =	sor.u32 $0xD0000000, s2;
	s6 =	simm.s32 $0x108;
	_ =	swait.ge @!p0 [sflag:s8], $0x0  }
0x24: {  	s3 =	sadd.s32 $0x88, s3;
	s6 =	simm.s32 @!p1 $0x1082;
	[sflag:s4] =	ssyncset.s32 $0xFFFFF086  }
0x25: {  	[simem:s6], [sflag:s4] =	dma.local [hbm:s3], $0xF7A  }
0x26: {  	[smem:$0x3F9A] =	sst s1;
	(tag) =	ssettag s2;
	_ =	strace s9  }
0x27: {  	s1 =	sld [smem:$0x3FAA]  }
0x28: {  	s2 =	sld [smem:$0x3FAB]  }
0x29: {  	s4 =	sld [smem:$0x3FAD]  }
0x2a: {  	p0 =	seq.s32 s5, $0x0;
	s5 =	sld [smem:$0x3FAE]  }
0x2b: {  	s6 =	sld [smem:$0x3FAF]  }
0x2c: {  	s7 =	sld [smem:$0x3FB0]  }
0x2d: {  	s3 =	simm.s32 $0x108;
	s8 =	sld [smem:$0x3FB1]  }
0x2e: {  	s3 =	simm.s32 @!p0 $0x1082;
	s9 =	sld [smem:$0x3FB2]  }
0x2f: {  	lr =	sadd.s32 s0, s3;
	s0 =	sld [smem:$0x3FA9]  }
0x30: {  	s3 =	sld [smem:$0x3FAC]  }
0x31: {  	[smem:$0x3FB5] =	sst s10  }
0x32: {  	s10 =	sld [smem:$0x3FB3];
	_ =	sdelay $0x3  }
0x33: {  	p0 =	seq.s32 s10, $0x1;
	s10 =	sld [smem:$0x3FB5];
	_ =	sdelay $0x3  }
0x34: {  	[smem:$0x3FB5] =	sst s10  }
0x35: {  	s10 =	sld [smem:$0x3FB4];
	_ =	sdelay $0x3  }
0x36: {  	p1 =	seq.s32 s10, $0x1;
	s10 =	sld [smem:$0x3FB5];
	_ =	sdelay $0x3  }
0x37: {  	[smem:$0x3FB5] =	sst s10  }
0x38: {  	s10 =	sld [smem:$0x3FB6]  }
0x39: {  	_ = 	snop;
	(pc) =	sbr.ind lr, $3  }
0x3a: {  	_ = 	snop  }
0x3b: {  	_ = 	snop  }
0x3c: {  	p2 =	seq.s32 s10, $0x1;
	s10 =	sld [smem:$0x3FB5]  }
0x3d: {  	_ =	shalt  }
0x3e: {  	_ =	shalt  }
0x3f: {  	_ =	shalt  }
0x40: {  	_ =	shalt  }
0x41: {  	_ =	shalt  }
0x42: {  	_ =	shalt  }
0x43: {  	_ =	shalt  }
0x44: {  	_ =	shalt  }
0x45: {  	_ =	shalt  }
0x46: {  	_ =	shalt  }
0x47: {  	_ =	shalt  }
0x48: {  	_ =	shalt  }
0x49: {  	_ =	shalt  }
0x4a: {  	_ =	shalt  }
0x4b: {  	_ =	shalt  }
0x4c: {  	_ =	shalt  }
0x4d: {  	_ =	shalt  }
0x4e: {  	_ =	shalt  }
0x4f: {  	_ =	shalt  }
0x50: {  	_ =	shalt  }
0x51: {  	_ =	shalt  }
0x52: {  	_ =	shalt  }
0x53: {  	_ =	shalt  }
0x54: {  	_ =	shalt  }
0x55: {  	_ =	shalt  }
0x56: {  	_ =	shalt  }
0x57: {  	_ =	shalt  }
0x58: {  	_ =	shalt  }
0x59: {  	_ =	shalt  }
0x5a: {  	_ =	shalt  }
0x5b: {  	_ =	shalt  }
0x5c: {  	_ =	shalt  }
0x5d: {  	_ =	shalt  }
0x5e: {  	_ =	shalt  }
0x5f: {  	_ =	shalt  }
0x60: {  	_ =	shalt  }
0x61: {  	_ =	shalt  }
0x62: {  	_ =	shalt  }
0x63: {  	_ =	shalt  }
0x64: {  	_ =	shalt  }
0x65: {  	_ =	shalt  }
0x66: {  	_ =	shalt  }
0x67: {  	_ =	shalt  }
0x68: {  	_ =	shalt  }
0x69: {  	_ =	shalt  }
0x6a: {  	_ =	shalt  }
0x6b: {  	_ =	shalt  }
0x6c: {  	_ =	shalt  }
0x6d: {  	_ =	shalt  }
0x6e: {  	_ =	shalt  }
0x6f: {  	_ =	shalt  }
0x70: {  	_ =	shalt  }
0x71: {  	_ =	shalt  }
0x72: {  	_ =	shalt  }
0x73: {  	_ =	shalt  }
0x74: {  	_ =	shalt  }
0x75: {  	_ =	shalt  }
0x76: {  	_ =	shalt  }
0x77: {  	_ =	shalt  }
0x78: {  	_ =	shalt  }
0x79: {  	_ =	shalt  }
0x7a: {  	_ =	shalt  }
0x7b: {  	_ =	shalt  }
0x7c: {  	_ =	shalt  }
0x7d: {  	_ =	shalt  }
0x7e: {  	_ =	shalt  }
0x7f: {  	_ =	shalt  }
0x80: {  	_ =	shalt  }
0x81: {  	_ =	shalt  }
0x82: {  	_ =	shalt  }
0x83: {  	_ =	shalt  }
0x84: {  	_ =	shalt  }
0x85: {  	_ =	shalt  }
0x86: {  	_ =	shalt  }
0x87: {  	_ =	shalt  }
.Lfunc_end0:
.L_simem_size_0:
called_computation.1_lowered:
.L_overlay_start_0:
0x88: {  	s2 =	sld [smem:$0x3FD9]  }
0x89: {  	s3 =	sld [smem:$0x3FFE];
	_ =	sdelay $0x1  }
0x8a: {  	s1 =	srdreg.scid  }
0x8b: {  	s0 =	sand.u32 $0x1, s1  }
0x8c: {  	s14 =	sshll.u32 s0, $0xA;
	s2 =	sadd.s32 s3, s2  }
0x8d: {  	s2 =	sadd.s32 s2, s14  }
0x8e: {  	[smem:$0x3FC1] =	sst s2  }
0x8f: {  	_ = 	snop  }
0x90: {  	s2 =	sld [smem:$0x3FD0];
	_ =	sdelay $0x2  }
0x91: {  	s15 =	simm.s32 $0xA;
	s4 =	simm.s32 $0x10  }
0x92: {  	[smem:s4], [sflag:s15] =	dma.local [hbm:s2], $0x1  }
0x93: {  	_ =	swait.eq [sflag:s15], $0x1  }
0x94: {  	[sflag:s15] =	ssyncset.done $0x0  }
0x95: {  	[sflag:s15] =	ssyncadd.s32 $0xFFFFFFFF  }
0x96: {  	s16 =	sld [smem:$0x10];
	(tm) =	ssettm $0x1  }
0x97: {  	s17 =	sld [smem:$0x3FFB];
	_ =	sdelay $0x3  }
0x98: {  	_ =	strace s17  }
0x99: {  	s3 =	sld [smem:$0x3FFC];
	_ =	sdelay $0x3  }
0x9a: {  	_ =	strace s3  }
0x9b: {  	s3 =	sld [smem:$0x3FFD];
	_ =	sdelay $0x3  }
0x9c: {  	_ =	strace s3  }
0x9d: {  	_ =	strace $0x8FFFFFFF  }
0x9e: {  	s18 =	sld [smem:$0x3FDB];
	_ =	sdelay $0x1  }
0x9f: {  	s19 =	simm.s32 $_scs_section_size  }
0xa0: {  	s5 =	simm.s32 $_size__tile_overlayer_lowered;
	s6 =	simm.s32 $_tile_overlayer_lowered  }
0xa1: {  	s22 =	simm.s32 $0x1BFF;
	s21 =	sshll.u32 s6, $0x1;
	s3 =	sadd.s32 s19, s18  }
0xa2: {  	s7 =	simm.s32 $0x0;
	s20 =	sshll.u32 s5, $0x1;
	s5 =	sadd.s32 s21, s3  }
0xa3: {  	[timem:s7], [sflag:s22] =	dma.local [hbm:s5], s20  }
0xa4: {  	_ =	swait.ge [sflag:s22], s20  }
0xa5: {  	s4 =	ssub.s32 $0x0, s20;
	[sflag:s22] =	ssyncset.done $0x0  }
0xa6: {  	[sflag:s22] =	ssyncadd.s32 s4;
	_ =	sdelay $0x1  }
0xa7: {  	s23 =	simm.s32 $0x1B8B  }
0xa8: {  	_ =	swait.ge [sflag:s23], $0x1  }
0xa9: {  	[sflag:s23] =	ssyncset.done $0x0  }
0xaa: {  	s25 =	simm.s32 $0x1B8E;
	s24 =	sld [smem:$0x3FFE];
	[sflag:s23] =	ssyncadd.s32 $0xFFFFFFFF  }
0xab: {  	s26 =	simm.s32 $execute0_lowered;
	[smem:$0x3FD2] =	sst s25  }
0xac: {  	s5 =	sshll.u32 s26, $0x1;
	_ =	strace $0x80000049;
	[dreg:$0x1] =	wrdreg $0xFFFFFFFF  }
0xad: {  	s28 =	simm.s32 $_size_execute0_lowered;
	s3 =	sadd.s32 s3, s5;
	[dreg:$0x0] =	wrdreg $0x0  }
0xae: {  	s5 =	sshll.u32 s28, $0x1;
	[dreg:$0x2] =	wrdreg s3  }
0xaf: {  	[dreg:$0x3] =	wrdreg s5  }
0xb0: {  	[dreg:$0x4] =	wrdreg $0xC0  }
0xb1: {  	_ =	task [dreg:s7], $0x5FFFF  }
0xb2: {  	[dreg:$0x1] =	wrdreg $0xFFFFFFFF  }
0xb3: {  	[dreg:$0x0] =	wrdreg $0x60  }
0xb4: {  	[dreg:$0x2] =	wrdreg s16  }
0xb5: {  	[dreg:$0x3] =	wrdreg s24  }
0xb6: {  	[dreg:$0x4] =	wrdreg $0xA8000  }
0xb7: {  	[dreg:$0x5] =	wrdreg $0x9  }
0xb8: {  	_ =	task.clear_ibuf [dreg:s7], $0x6FFFF;
	_ =	strace $0x90000049  }
0xb9: {  	s29 =	simm.s32 $0x9;
	_ =	strace $0x8000004B  }
0xba: {  	_ =	swait.ge [sflag:s29], $0x1  }
0xbb: {  	[sflag:s29] =	ssyncadd.s32 $0xFFFFFFFF  }
0xbc: {  	_ =	strace $0x9000004B  }
0xbd: {  	_ =	sfence  }
0xbe: {  	s30 =	sld [smem:$0x0];
	_ =	sdelay $0x2  }
0xbf: {  	s31 =	sshll.u32 s1, $0xD;
	s1 =	sshrl.u32 s1, $0x2  }
0xc0: {  	s3 =	sand.u32 $0x4000, s31;
	s1 =	sadd.s32 s1, s30  }
0xc1: {  	s0 =	sor.u32 s3, s0;
	s1 =	sshll.u32 s1, $0x11  }
0xc2: {  	s0 =	sor.u32 s1, s0  }
0xc3: {  	s0 =	sadd.s32 $0x8F2B, s0  }
0xc4: {  	[sflag:s0] =	ssyncadd.remote.s32 $0x1  }
0xc5: {  	_ =	sfence.sel $0xFFFF  }
0xc6: {  	[dreg:$0x0] =	wrdreg $0xFFFFFFFF;
	(pc) =	sbr.abs _section_cstart, $3  }
0xc7: {  	[dreg:$0x1] =	wrdreg $0xFFFFFFFF  }
0xc8: {  	_ =	task.clear_ibuf [dreg:s7], $0x2FFFF;
	_ =	strace $0x9FFFFFFF  }
0xc9: {  	(tm) =	ssettm $0x7FFFFFFF  }
tec
execute0_lowered:
.L_overlay_start_1:
0x0: {  	(tag) =	ssettag $0x1  }
0x1: {  	s2 =	rddreg [dreg:$0x0]  }
0x2: {  	s5 =	rddreg [dreg:$0x1]  }
0x3: {  	s3 =	rddreg [dreg:$0x2]  }
0x4: {  	s0 =	rddreg [dreg:$0x3];
	s1 =	stileid.u32  }
0x5: {  	s6 =	srdreg.scid;
	s4 =	simm.s32 $0x0;
	s16 =	simm.s32 $0x80  }
0x6: {  	s17 =	simm.s32 $0x2800;
	s18 =	simm.s32 $0x6800;
	s19 =	simm.s32 $0x1  }
0x7: {  	s20 =	simm.s32 $0x2;
	s21 =	simm.s32 $0x2700;
	s22 =	simm.s32 $0x2780  }
0x8: {  	s23 =	simm.s32 $0x0;
	s7 =	smul.u32 $0x13C00, s1;
	s6 =	sand.u32 $0x1, s6  }
0x9: {  	[smem:$0x7FF] =	sst s4;
	s9 =	sadd.s32 $0xDE00, s5;
	s25 =	smul.u32 $0x4F000, s1  }
0xa: {  	s11 =	sadd.s32 $0x3E00, s5;
	s30 =	sshll.u32 s1, $0x6;
	s8 =	smul.u32 $0x13C000, s6  }
0xb: {  	_ =	strace $0x8000004A;
	s12 =	sshll.u32 s6, $0x4;
	s26 =	ssub.s32 $0x2, s6  }
0xc: {  	s6 =	sor.u32 $0x1C03, s30;
	s10 =	sshrl.u32 s7, $0x3;
	s28 =	sor.u32 s1, s12  }
0xd: {  	s29 =	sshrl.u32 s26, $0x1;
	s10 =	sadd.s32 s10, s5;
	s7 =	sadd.s32 s7, s8  }
0xe: {  	s8 =	sshrl.u32 s25, $0x2;
	s12 =	smul.u32 $0x2800, s28;
	s7 =	sshrl.u32 s7, $0x3  }
0xf: {  	s14 =	ssub.s32 s26, s29;
	s15 =	sadd.s32 s8, s3;
	s13 =	sadd.s32 s7, s5  }
0x10: {  	s5 =	sadd.s32 $0x17E00, s10;
	s31 =	sshrl.u32 s12, $0x3;
	s12 =	smax.u32 s14, $0x1  }
0x11: {  	s14 =	simm.s32 $0x3;
	s7 =	sadd.s32 s9, s31;
	s10 =	sadd.s32 $0x280, s31  }
0x12: {  	s8 =	sadd.s32 s11, s31;
	s9 =	sadd.s32 s9, s10;
	s10 =	sadd.s32 s11, s10  }
0x13: {  	s11 =	sadd.s32 $0x66800, s13;
	s13 =	sshrl.u32 s15, $0x3;
	s15 =	simm.s32 $0x1400  }
.LBB2_1:
0x14: {  	[spmem:s13], [sflag:s6] =	dma.local [hbm:s5], $0x2780  }
0x15: {  	_ =	swait.ge [sflag:s14], $0x2780  }
0x16: {  	[sflag:s14] =	ssyncset.done $0x0  }
0x17: {  	[sflag:s14] =	ssyncadd.s32 $0xFFFFD880  }
0x18: {  	[bflag:$0x0] =	sbarrier.arrive $0xFFFF  }
0x19: {  	[tilespmem:s4], [sflag:$0x3] =	stream.linear.gather [hbm4b:s7+s4], $0x1400, $0x38;
	[tilespmem:$0x1E400] =	vst v63  }
0x1a: {  	_ =	swait.ge [sflag:s14], $0x1400  }
0x1b: {  	[sflag:s14] =	ssyncset.done $0x0  }
0x1c: {  	[sflag:s14] =	ssyncadd.s32 $0xFFFFEC00  }
0x1d: {  	[tilespmem:s15], [sflag:$0x3] =	stream.linear.gather [hbm4b:s8+s4], $0x1400, $0x38;
	[tilespmem:$0x1E400] =	vst v63  }
0x1e: {  	_ =	swait.ge [sflag:s14], $0x1400  }
0x1f: {  	[sflag:s14] =	ssyncset.done $0x0  }
0x20: {  	[sflag:s14] =	ssyncadd.s32 $0xFFFFEC00  }
0x21: {  	[tilespmem:s17], [sflag:$0x1] =	stream.indirect.gather [hbm4b:s2+s16], $0x80, s4, s16, $0xb8;
	[tilespmem:$0x1E400] =	vst v63  }
0x22: {  	_ = 	snop  }
0x23: {  	[tilespmem:s18], [sflag:$0x2] =	stream.indirect.gather [hbm4b:s2+s16], $0x80, s16, s16, $0xb8;
	[tilespmem:$0x1E400] =	vst v63  }
0x24: {  	_ =	swait.ge [sflag:s19], $0x4000  }
0x25: {  	[sflag:s19] =	ssyncset.done $0x0  }
0x26: {  	s24 =	simm.s32 $0x1400;
	[sflag:s19] =	ssyncadd.s32 $0xFFFFC000  }
0x27: {  	[spmem:s3] =	stream.indirect.scatter.add.f32 [tilespmem:s17], [sflag:$0x3], $0x80, s24, s16, $0xb8;
	[tilespmem:$0x1E400] =	vst v63  }
0x28: {  	_ =	swait.ge [sflag:s14], $0x4000  }
0x29: {  	[sflag:s14] =	ssyncset.done $0x0  }
0x2a: {  	s30 =	simm.s32 $0x100;
	[sflag:s14] =	ssyncadd.s32 $0xFFFFC000  }
0x2b: {  	[tilespmem:s17], [sflag:$0x1] =	stream.indirect.gather [hbm4b:s2+s16], $0x80, s30, s16, $0xb8;
	[tilespmem:$0x1E400] =	vst v63  }
0x2c: {  	_ =	swait.ge [sflag:s20], $0x4000  }
0x2d: {  	[sflag:s20] =	ssyncset.done $0x0  }
0x2e: {  	s31 =	simm.s32 $0x1480;
	[sflag:s20] =	ssyncadd.s32 $0xFFFFC000  }
0x2f: {  	[spmem:s3] =	stream.indirect.scatter.add.f32 [tilespmem:s18], [sflag:$0x3], $0x80, s31, s16, $0xb8;
	[tilespmem:$0x1E400] =	vst v63  }
0x30: {  	_ =	swait.ge [sflag:s14], $0x4000  }
0x31: {  	[sflag:s14] =	ssyncset.done $0x0  }
0x32: {  	s25 =	simm.s32 $0x180;
	s24 =	simm.s32 $0x400;
	[sflag:s14] =	ssyncadd.s32 $0xFFFFC000  }
.LBB2_2:
0x33: {  	[tilespmem:s18], [sflag:$0x2] =	stream.indirect.gather [hbm4b:s2+s16], $0x80, s25, s16, $0xb8;
	[tilespmem:$0x1E400] =	vst v63  }
0x34: {  	s25 =	smov.u32 s24  }
0x35: {  	p0 =	sne.s32 s24, $0x4800;
	s24 =	sadd.s32 $0x400, s24;
	_ =	swait.ge [sflag:s19], $0x4000  }
0x36: {  	s25 =	sshra.s32 s25, $0x2;
	[sflag:s19] =	ssyncset.done $0x0  }
0x37: {  	s26 =	sadd.s32 $0x1400, s25;
	[sflag:s19] =	ssyncadd.s32 $0xFFFFC000  }
0x38: {  	[spmem:s3] =	stream.indirect.scatter.add.f32 [tilespmem:s17], [sflag:$0x3], $0x80, s26, s16, $0xb8;
	[tilespmem:$0x1E400] =	vst v63  }
0x39: {  	_ =	swait.ge [sflag:s14], $0x4000  }
0x3a: {  	[sflag:s14] =	ssyncset.done $0x0  }
0x3b: {  	s26 =	sadd.s32 $0x100, s25;
	[sflag:s14] =	ssyncadd.s32 $0xFFFFC000  }
0x3c: {  	[tilespmem:s17], [sflag:$0x1] =	stream.indirect.gather [hbm4b:s2+s16], $0x80, s26, s16, $0xb8;
	[tilespmem:$0x1E400] =	vst v63  }
0x3d: {  	_ =	swait.ge [sflag:s20], $0x4000  }
0x3e: {  	[sflag:s20] =	ssyncset.done $0x0  }
.Ltmp0:
0x3f: {  	s26 =	sadd.s32 $0x1480, s25;
	[sflag:s20] =	ssyncadd.s32 $0xFFFFC000;
	(pc) =	sbr.rel @p0 .LBB2_2-.Ltmp0, $4  }
0x40: {  	[spmem:s3] =	stream.indirect.scatter.add.f32 [tilespmem:s18], [sflag:$0x3], $0x80, s26, s16, $0xb8;
	[tilespmem:$0x1E400] =	vst v63  }
0x41: {  	_ =	swait.ge [sflag:s14], $0x4000  }
0x42: {  	[sflag:s14] =	ssyncset.done $0x0  }
0x43: {  	s25 =	sadd.s32 $0x180, s25;
	[sflag:s14] =	ssyncadd.s32 $0xFFFFC000  }
0x44: {  	[tilespmem:s18], [sflag:$0x2] =	stream.indirect.gather [hbm4b:s2+s16], $0x80, s25, s16, $0xb8;
	[tilespmem:$0x1E400] =	vst v63  }
0x45: {  	_ =	swait.ge [sflag:s19], $0x4000  }
0x46: {  	[sflag:s19] =	ssyncset.done $0x0  }
0x47: {  	[sflag:s19] =	ssyncadd.s32 $0xFFFFC000  }
0x48: {  	[spmem:s3] =	stream.indirect.scatter.add.f32 [tilespmem:s17], [sflag:$0x3], $0x80, s21, s16, $0xb8;
	[tilespmem:$0x1E400] =	vst v63  }
0x49: {  	_ =	swait.ge [sflag:s14], $0x4000  }
0x4a: {  	[sflag:s14] =	ssyncset.done $0x0  }
0x4b: {  	[sflag:s14] =	ssyncadd.s32 $0xFFFFC000  }
0x4c: {  	_ =	swait.ge [sflag:s20], $0x4000  }
0x4d: {  	[sflag:s20] =	ssyncset.done $0x0  }
0x4e: {  	[sflag:s20] =	ssyncadd.s32 $0xFFFFC000  }
0x4f: {  	[spmem:s3] =	stream.indirect.scatter.add.f32 [tilespmem:s18], [sflag:$0x3], $0x80, s22, s16, $0xb8;
	[tilespmem:$0x1E400] =	vst v63  }
0x50: {  	_ =	swait.ge [sflag:s14], $0x4000  }
0x51: {  	[sflag:s14] =	ssyncset.done $0x0  }
0x52: {  	s24 =	simm.s32 $0x0;
	[sflag:s14] =	ssyncadd.s32 $0xFFFFC000  }
0x53: {  	[tilespmem:s24], [sflag:$0x3] =	stream.linear.gather [hbm4b:s9+s24], $0x1400, $0x38;
	[tilespmem:$0x1E400] =	vst v63  }
0x54: {  	_ =	swait.ge [sflag:s14], $0x1400  }
0x55: {  	[sflag:s14] =	ssyncset.done $0x0  }
0x56: {  	[sflag:s14] =	ssyncadd.s32 $0xFFFFEC00  }
0x57: {  	[tilespmem:s15], [sflag:$0x3] =	stream.linear.gather [hbm4b:s10+s24], $0x1400, $0x38;
	[tilespmem:$0x1E400] =	vst v63  }
0x58: {  	_ =	swait.ge [sflag:s14], $0x1400  }
0x59: {  	[sflag:s14] =	ssyncset.done $0x0  }
0x5a: {  	[sflag:s14] =	ssyncadd.s32 $0xFFFFEC00  }
0x5b: {  	[tilespmem:s17], [sflag:$0x1] =	stream.indirect.gather [hbm4b:s2+s16], $0x80, s24, s16, $0xb8;
	[tilespmem:$0x1E400] =	vst v63  }
0x5c: {  	_ = 	snop  }
0x5d: {  	[tilespmem:s18], [sflag:$0x2] =	stream.indirect.gather [hbm4b:s2+s16], $0x80, s16, s16, $0xb8;
	[tilespmem:$0x1E400] =	vst v63  }
0x5e: {  	_ =	swait.ge [sflag:s19], $0x4000  }
0x5f: {  	[sflag:s19] =	ssyncset.done $0x0  }
0x60: {  	s29 =	simm.s32 $0x1400;
	[sflag:s19] =	ssyncadd.s32 $0xFFFFC000  }
0x61: {  	[spmem:s3] =	stream.indirect.scatter.add.f32 [tilespmem:s17], [sflag:$0x3], $0x80, s29, s16, $0xb8;
	[tilespmem:$0x1E400] =	vst v63  }
0x62: {  	_ =	swait.ge [sflag:s14], $0x4000  }
0x63: {  	[sflag:s14] =	ssyncset.done $0x0  }
0x64: {  	s30 =	simm.s32 $0x100;
	[sflag:s14] =	ssyncadd.s32 $0xFFFFC000  }
0x65: {  	[tilespmem:s17], [sflag:$0x1] =	stream.indirect.gather [hbm4b:s2+s16], $0x80, s30, s16, $0xb8;
	[tilespmem:$0x1E400] =	vst v63  }
0x66: {  	_ =	swait.ge [sflag:s20], $0x4000  }
0x67: {  	[sflag:s20] =	ssyncset.done $0x0  }
0x68: {  	s31 =	simm.s32 $0x1480;
	[sflag:s20] =	ssyncadd.s32 $0xFFFFC000  }
0x69: {  	[spmem:s3] =	stream.indirect.scatter.add.f32 [tilespmem:s18], [sflag:$0x3], $0x80, s31, s16, $0xb8;
	[tilespmem:$0x1E400] =	vst v63  }
0x6a: {  	_ =	swait.ge [sflag:s14], $0x4000  }
0x6b: {  	[sflag:s14] =	ssyncset.done $0x0  }
0x6c: {  	s25 =	simm.s32 $0x180;
	s24 =	simm.s32 $0x400;
	[sflag:s14] =	ssyncadd.s32 $0xFFFFC000  }
.LBB2_4:
0x6d: {  	[tilespmem:s18], [sflag:$0x2] =	stream.indirect.gather [hbm4b:s2+s16], $0x80, s25, s16, $0xb8;
	[tilespmem:$0x1E400] =	vst v63  }
0x6e: {  	s25 =	smov.u32 s24  }
0x6f: {  	p0 =	sne.s32 s24, $0x4800;
	s24 =	sadd.s32 $0x400, s24;
	_ =	swait.ge [sflag:s19], $0x4000  }
0x70: {  	s25 =	sshra.s32 s25, $0x2;
	[sflag:s19] =	ssyncset.done $0x0  }
0x71: {  	s26 =	sadd.s32 $0x1400, s25;
	[sflag:s19] =	ssyncadd.s32 $0xFFFFC000  }
0x72: {  	[spmem:s3] =	stream.indirect.scatter.add.f32 [tilespmem:s17], [sflag:$0x3], $0x80, s26, s16, $0xb8;
	[tilespmem:$0x1E400] =	vst v63  }
0x73: {  	_ =	swait.ge [sflag:s14], $0x4000  }
0x74: {  	[sflag:s14] =	ssyncset.done $0x0  }
0x75: {  	s26 =	sadd.s32 $0x100, s25;
	[sflag:s14] =	ssyncadd.s32 $0xFFFFC000  }
0x76: {  	[tilespmem:s17], [sflag:$0x1] =	stream.indirect.gather [hbm4b:s2+s16], $0x80, s26, s16, $0xb8;
	[tilespmem:$0x1E400] =	vst v63  }
0x77: {  	_ =	swait.ge [sflag:s20], $0x4000  }
0x78: {  	[sflag:s20] =	ssyncset.done $0x0  }
.Ltmp1:
0x79: {  	s26 =	sadd.s32 $0x1480, s25;
	[sflag:s20] =	ssyncadd.s32 $0xFFFFC000;
	(pc) =	sbr.rel @p0 .LBB2_4-.Ltmp1, $4  }
0x7a: {  	[spmem:s3] =	stream.indirect.scatter.add.f32 [tilespmem:s18], [sflag:$0x3], $0x80, s26, s16, $0xb8;
	[tilespmem:$0x1E400] =	vst v63  }
0x7b: {  	_ =	swait.ge [sflag:s14], $0x4000  }
0x7c: {  	[sflag:s14] =	ssyncset.done $0x0  }
0x7d: {  	s25 =	sadd.s32 $0x180, s25;
	[sflag:s14] =	ssyncadd.s32 $0xFFFFC000  }
0x7e: {  	[tilespmem:s18], [sflag:$0x2] =	stream.indirect.gather [hbm4b:s2+s16], $0x80, s25, s16, $0xb8;
	[tilespmem:$0x1E400] =	vst v63  }
0x7f: {  	_ =	swait.ge [sflag:s19], $0x4000  }
0x80: {  	[sflag:s19] =	ssyncset.done $0x0  }
0x81: {  	[sflag:s19] =	ssyncadd.s32 $0xFFFFC000  }
0x82: {  	[spmem:s3] =	stream.indirect.scatter.add.f32 [tilespmem:s17], [sflag:$0x3], $0x80, s21, s16, $0xb8;
	[tilespmem:$0x1E400] =	vst v63  }
0x83: {  	_ =	swait.ge [sflag:s14], $0x4000  }
0x84: {  	[sflag:s14] =	ssyncset.done $0x0  }
0x85: {  	[sflag:s14] =	ssyncadd.s32 $0xFFFFC000  }
0x86: {  	_ =	swait.ge [sflag:s20], $0x4000  }
0x87: {  	[sflag:s20] =	ssyncset.done $0x0  }
0x88: {  	[sflag:s20] =	ssyncadd.s32 $0xFFFFC000  }
0x89: {  	[spmem:s3] =	stream.indirect.scatter.add.f32 [tilespmem:s18], [sflag:$0x3], $0x80, s22, s16, $0xb8;
	[tilespmem:$0x1E400] =	vst v63  }
0x8a: {  	_ =	swait.ge [sflag:s14], $0x4000  }
0x8b: {  	s23 =	sadd.s32 $0x1, s23;
	[sflag:s14] =	ssyncset.done $0x0  }
0x8c: {  	p0 =	sne.s32 s23, s12;
	[sflag:s14] =	ssyncadd.s32 $0xFFFFC000  }
.Ltmp2:
0x8d: {  	[bflag:$0x0] =	sbarrier.arrive $0xFFFF;
	(pc) =	sbr.rel @p0 .LBB2_1-.Ltmp2, $4  }
0x8e: {  	[hbm:s11], [sflag:s6] =	dma.local [spmem:s13], $0x2780  }
0x8f: {  	_ =	swait.ge [sflag:s14], $0x2780  }
0x90: {  	[sflag:s14] =	ssyncset.done $0x0  }
0x91: {  	[sflag:s14] =	ssyncadd.s32 $0xFFFFD880  }
0x92: {  	_ =	sfence.sel $0x180000  }
0x93: {  	[bflag:$0x0] =	sbarrier.arrive $0xFFFF  }
0x94: {  	p0 =	sne.s32 s1, $0x0;
	_ =	strace $0x9000004A  }
0x95: {  	s0 =	sadd.s32 @!p0 $0x100000, s0;
	[bflag:$0x2] =	sbarrier.arrive $0xFFFF  }
0x96: {  	[sflag:s0] =	ssyncadd.tile.s32 @!p0 $0x1;
	_ =	shalt  }
.Lfunc_end2:
_tile_overlayer_lowered:
.L_overlay_start_2:
0x97: {  	(tag) =	ssettag $0x2  }
0x98: {  	s0 =	rddreg [dreg:$0x0];
	s2 =	stileid.u32  }
0x99: {  	s1 =	rddreg [dreg:$0x1];
	p0 =	sne.s32 s2, $0x0  }
0x9a: {  	s3 =	rddreg [dreg:$0x2];
	[bflag:$0x3] =	sbarrier.arrive $0xFFFF;
	s2 =	simm.s32 @!p0 $0x1C03  }
0x9b: {  	[timem:s3], [sflag:s2] =	dma.local @!p0 [hbm:s0], s1  }
0x9c: {  	s0 =	simm.s32 @!p0 $0x3  }
0x9d: {  	_ =	swait.ge @!p0 [sflag:s0], s1  }
0x9e: {  	s1 =	ssub.s32 @!p0 $0x0, s1;
	[sflag:s0] =	ssyncset.done @!p0 $0x0  }
0x9f: {  	[sflag:s0] =	ssyncadd.s32 @!p0 s1  }
0xa0: {  	[bflag:$0x3] =	sbarrier.arrive $0xFFFF  }
0xa1: {  	_ =	shalt  }

// kernel: kernel.15.cloned.1.call-start
scs
__scs_entry_jumppad:
0x0: {  	(pc) =	sbr.rel $0x88, $3  }
0x1: {  	(tag) =	ssettag $0x0;
	lr =	simm.s32 $0x1  }
0x2: {  	[smem:$0x3F9A] =	sst lr;
	_ =	strace $0xD0000000  }
0x3: {  	_ = 	snop  }
0x4: {  	_ = 	snop  }
0x5: {  	_ = 	snop  }
0x6: {  	_ = 	snop  }
0x7: {  	_ = 	snop  }
__scs_overlays_trampoline_lowered:
0x8: {  	[smem:$0x3FA9] =	sst s0  }
0x9: {  	[smem:$0x3FAA] =	sst s1  }
0xa: {  	[smem:$0x3FAB] =	sst s2  }
0xb: {  	[smem:$0x3FAC] =	sst s3  }
0xc: {  	[smem:$0x3FAD] =	sst s4  }
0xd: {  	[smem:$0x3FAE] =	sst s5  }
0xe: {  	[smem:$0x3FAF] =	sst s6  }
0xf: {  	[smem:$0x3FB0] =	sst s7  }
0x10: {  	[smem:$0x3FB1] =	sst s8  }
0x11: {  	[smem:$0x3FB2] =	sst s9;
	s0 =	simm.s32 @!p0 $0x0  }
0x12: {  	s1 =	sld [smem:$0x3F98];
	s0 =	simm.s32 @p0 $0x1  }
0x13: {  	[smem:$0x3FB3] =	sst s0;
	s0 =	simm.s32 @!p1 $0x0  }
0x14: {  	s2 =	sld [smem:$0x3F97];
	s0 =	simm.s32 @p1 $0x1  }
0x15: {  	[smem:$0x3FB4] =	sst s0;
	s0 =	simm.s32 @!p2 $0x0  }
0x16: {  	s3 =	sld [smem:$0x3FDB];
	s0 =	simm.s32 @p2 $0x1  }
0x17: {  	s4 =	simm.s32 $0x1BF5;
	[smem:$0x3FB6] =	sst s0  }
0x18: {  	s0 =	sld [smem:$0x3F99];
	_ =	swait.ge [sflag:s4], $0x0  }
0x19: {  	s7 =	sld [smem:$0x3F9A]  }
0x1a: {  	s8 =	sadd.s32 $0xFFFFE003, lr  }
0x1b: {  	s9 =	sadd.s32 $0xFFFFFEF7, lr;
	s5 =	simm.s32 $0xFFFFFFFF;
	p2 =	slt.u32 s8, $0xFFFFF086  }
0x1c: {  	p1 =	slt.u32 s9, $0xF7A;
	s5 =	simm.s32 @!p2 $0x0  }
0x1d: {  	s5 =	simm.s32 @p1 $0x1;
	p0 =	seq.s32 s7, s2  }
0x1e: {  	s7 =	smul.u32 @!p0 $0xF7A, s2;
	p2 =	seq.s32 @!p0 s5, $0x0  }
0x1f: {  	s9 =	smul.u32 $0xF7A, s1;
	s8 =	simm.s32 @!p0 $0x1BF5;
	p2 =	por !p2, p0  }
0x20: {  	[sflag:s8] =	ssyncset.s32 @!p0 $0xFFFFF086;
	s6 =	sadd.s32 @!p0 s3, s7;
	s7 =	simm.s32 @!p0 $0x108  }
0x21: {  	s3 =	sadd.s32 s3, s9;
	s6 =	sadd.s32 @!p0 $0x88, s6;
	s7 =	simm.s32 @p2 $0x1082  }
0x22: {  	[simem:s7], [sflag:s8] =	dma.local @!p0 [hbm:s6], $0xF7A  }
0x23: {  	s9 =	sor.u32 $0xD0000000, s2;
	s6 =	simm.s32 $0x108;
	_ =	swait.ge @!p0 [sflag:s8], $0x0  }
0x24: {  	s3 =	sadd.s32 $0x88, s3;
	s6 =	simm.s32 @!p1 $0x1082;
	[sflag:s4] =	ssyncset.s32 $0xFFFFF086  }
0x25: {  	[simem:s6], [sflag:s4] =	dma.local [hbm:s3], $0xF7A  }
0x26: {  	[smem:$0x3F9A] =	sst s1;
	(tag) =	ssettag s2;
	_ =	strace s9  }
0x27: {  	s1 =	sld [smem:$0x3FAA]  }
0x28: {  	s2 =	sld [smem:$0x3FAB]  }
0x29: {  	s4 =	sld [smem:$0x3FAD]  }
0x2a: {  	p0 =	seq.s32 s5, $0x0;
	s5 =	sld [smem:$0x3FAE]  }
0x2b: {  	s6 =	sld [smem:$0x3FAF]  }
0x2c: {  	s7 =	sld [smem:$0x3FB0]  }
0x2d: {  	s3 =	simm.s32 $0x108;
	s8 =	sld [smem:$0x3FB1]  }
0x2e: {  	s3 =	simm.s32 @!p0 $0x1082;
	s9 =	sld [smem:$0x3FB2]  }
0x2f: {  	lr =	sadd.s32 s0, s3;
	s0 =	sld [smem:$0x3FA9]  }
0x30: {  	s3 =	sld [smem:$0x3FAC]  }
0x31: {  	[smem:$0x3FB5] =	sst s10  }
0x32: {  	s10 =	sld [smem:$0x3FB3];
	_ =	sdelay $0x3  }
0x33: {  	p0 =	seq.s32 s10, $0x1;
	s10 =	sld [smem:$0x3FB5];
	_ =	sdelay $0x3  }
0x34: {  	[smem:$0x3FB5] =	sst s10  }
0x35: {  	s10 =	sld [smem:$0x3FB4];
	_ =	sdelay $0x3  }
0x36: {  	p1 =	seq.s32 s10, $0x1;
	s10 =	sld [smem:$0x3FB5];
	_ =	sdelay $0x3  }
0x37: {  	[smem:$0x3FB5] =	sst s10  }
0x38: {  	s10 =	sld [smem:$0x3FB6]  }
0x39: {  	_ = 	snop;
	(pc) =	sbr.ind lr, $3  }
0x3a: {  	_ = 	snop  }
0x3b: {  	_ = 	snop  }
0x3c: {  	p2 =	seq.s32 s10, $0x1;
	s10 =	sld [smem:$0x3FB5]  }
0x3d: {  	_ =	shalt  }
0x3e: {  	_ =	shalt  }
0x3f: {  	_ =	shalt  }
0x40: {  	_ =	shalt  }
0x41: {  	_ =	shalt  }
0x42: {  	_ =	shalt  }
0x43: {  	_ =	shalt  }
0x44: {  	_ =	shalt  }
0x45: {  	_ =	shalt  }
0x46: {  	_ =	shalt  }
0x47: {  	_ =	shalt  }
0x48: {  	_ =	shalt  }
0x49: {  	_ =	shalt  }
0x4a: {  	_ =	shalt  }
0x4b: {  	_ =	shalt  }
0x4c: {  	_ =	shalt  }
0x4d: {  	_ =	shalt  }
0x4e: {  	_ =	shalt  }
0x4f: {  	_ =	shalt  }
0x50: {  	_ =	shalt  }
0x51: {  	_ =	shalt  }
0x52: {  	_ =	shalt  }
0x53: {  	_ =	shalt  }
0x54: {  	_ =	shalt  }
0x55: {  	_ =	shalt  }
0x56: {  	_ =	shalt  }
0x57: {  	_ =	shalt  }
0x58: {  	_ =	shalt  }
0x59: {  	_ =	shalt  }
0x5a: {  	_ =	shalt  }
0x5b: {  	_ =	shalt  }
0x5c: {  	_ =	shalt  }
0x5d: {  	_ =	shalt  }
0x5e: {  	_ =	shalt  }
0x5f: {  	_ =	shalt  }
0x60: {  	_ =	shalt  }
0x61: {  	_ =	shalt  }
0x62: {  	_ =	shalt  }
0x63: {  	_ =	shalt  }
0x64: {  	_ =	shalt  }
0x65: {  	_ =	shalt  }
0x66: {  	_ =	shalt  }
0x67: {  	_ =	shalt  }
0x68: {  	_ =	shalt  }
0x69: {  	_ =	shalt  }
0x6a: {  	_ =	shalt  }
0x6b: {  	_ =	shalt  }
0x6c: {  	_ =	shalt  }
0x6d: {  	_ =	shalt  }
0x6e: {  	_ =	shalt  }
0x6f: {  	_ =	shalt  }
0x70: {  	_ =	shalt  }
0x71: {  	_ =	shalt  }
0x72: {  	_ =	shalt  }
0x73: {  	_ =	shalt  }
0x74: {  	_ =	shalt  }
0x75: {  	_ =	shalt  }
0x76: {  	_ =	shalt  }
0x77: {  	_ =	shalt  }
0x78: {  	_ =	shalt  }
0x79: {  	_ =	shalt  }
0x7a: {  	_ =	shalt  }
0x7b: {  	_ =	shalt  }
0x7c: {  	_ =	shalt  }
0x7d: {  	_ =	shalt  }
0x7e: {  	_ =	shalt  }
0x7f: {  	_ =	shalt  }
0x80: {  	_ =	shalt  }
0x81: {  	_ =	shalt  }
0x82: {  	_ =	shalt  }
0x83: {  	_ =	shalt  }
0x84: {  	_ =	shalt  }
0x85: {  	_ =	shalt  }
0x86: {  	_ =	shalt  }
0x87: {  	_ =	shalt  }
.Lfunc_end0:
.L_simem_size_0:
called_computation.2_lowered:
.L_overlay_start_0:
0x88: {  	s2 =	sld [smem:$0x3FD9]  }
0x89: {  	s3 =	sld [smem:$0x3FFE];
	_ =	sdelay $0x1  }
0x8a: {  	s1 =	srdreg.scid  }
0x8b: {  	s0 =	sand.u32 $0x1, s1  }
0x8c: {  	s14 =	sshll.u32 s0, $0xA;
	s2 =	sadd.s32 s3, s2  }
0x8d: {  	s2 =	sadd.s32 s2, s14  }
0x8e: {  	[smem:$0x3FC1] =	sst s2  }
0x8f: {  	_ = 	snop  }
0x90: {  	s2 =	sld [smem:$0x3FD0];
	_ =	sdelay $0x2  }
0x91: {  	s15 =	simm.s32 $0xA;
	s4 =	simm.s32 $0x10  }
0x92: {  	[smem:s4], [sflag:s15] =	dma.local [hbm:s2], $0x1  }
0x93: {  	_ =	swait.eq [sflag:s15], $0x1  }
0x94: {  	[sflag:s15] =	ssyncset.done $0x0  }
0x95: {  	[sflag:s15] =	ssyncadd.s32 $0xFFFFFFFF  }
0x96: {  	s16 =	sld [smem:$0x10];
	(tm) =	ssettm $0x1  }
0x97: {  	s17 =	sld [smem:$0x3FFB];
	_ =	sdelay $0x3  }
0x98: {  	_ =	strace s17  }
0x99: {  	s3 =	sld [smem:$0x3FFC];
	_ =	sdelay $0x3  }
0x9a: {  	_ =	strace s3  }
0x9b: {  	s3 =	sld [smem:$0x3FFD];
	_ =	sdelay $0x3  }
0x9c: {  	_ =	strace s3  }
0x9d: {  	_ =	strace $0x8FFFFFFF  }
0x9e: {  	s18 =	sld [smem:$0x3FDB];
	_ =	sdelay $0x1  }
0x9f: {  	s19 =	simm.s32 $_scs_section_size  }
0xa0: {  	s5 =	simm.s32 $_size__tile_overlayer_lowered;
	s6 =	simm.s32 $_tile_overlayer_lowered  }
0xa1: {  	s22 =	simm.s32 $0x1BFF;
	s21 =	sshll.u32 s6, $0x1;
	s3 =	sadd.s32 s19, s18  }
0xa2: {  	s7 =	simm.s32 $0x0;
	s20 =	sshll.u32 s5, $0x1;
	s5 =	sadd.s32 s21, s3  }
0xa3: {  	[timem:s7], [sflag:s22] =	dma.local [hbm:s5], s20  }
0xa4: {  	_ =	swait.ge [sflag:s22], s20  }
0xa5: {  	s4 =	ssub.s32 $0x0, s20;
	[sflag:s22] =	ssyncset.done $0x0  }
0xa6: {  	[sflag:s22] =	ssyncadd.s32 s4;
	_ =	sdelay $0x1  }
0xa7: {  	s23 =	simm.s32 $0x1B8B  }
0xa8: {  	_ =	swait.ge [sflag:s23], $0x1  }
0xa9: {  	[sflag:s23] =	ssyncset.done $0x0  }
0xaa: {  	s25 =	simm.s32 $0x1B8E;
	s24 =	sld [smem:$0x3FFE];
	[sflag:s23] =	ssyncadd.s32 $0xFFFFFFFF  }
0xab: {  	s26 =	simm.s32 $execute0_lowered;
	[smem:$0x3FD2] =	sst s25  }
0xac: {  	s5 =	sshll.u32 s26, $0x1;
	_ =	strace $0x8000004C;
	[dreg:$0x1] =	wrdreg $0xFFFFFFFF  }
0xad: {  	s28 =	simm.s32 $_size_execute0_lowered;
	s3 =	sadd.s32 s3, s5;
	[dreg:$0x0] =	wrdreg $0x0  }
0xae: {  	s5 =	sshll.u32 s28, $0x1;
	[dreg:$0x2] =	wrdreg s3  }
0xaf: {  	[dreg:$0x3] =	wrdreg s5  }
0xb0: {  	[dreg:$0x4] =	wrdreg $0xC0  }
0xb1: {  	_ =	task [dreg:s7], $0x5FFFF  }
0xb2: {  	[dreg:$0x1] =	wrdreg $0xFFFFFFFF  }
0xb3: {  	[dreg:$0x0] =	wrdreg $0x60  }
0xb4: {  	[dreg:$0x2] =	wrdreg s16  }
0xb5: {  	[dreg:$0x3] =	wrdreg s24  }
0xb6: {  	[dreg:$0x4] =	wrdreg $0xA8000  }
0xb7: {  	[dreg:$0x5] =	wrdreg $0x9  }
0xb8: {  	_ =	task.clear_ibuf [dreg:s7], $0x6FFFF;
	_ =	strace $0x9000004C  }
0xb9: {  	s29 =	simm.s32 $0x9;
	_ =	strace $0x8000004E  }
0xba: {  	_ =	swait.ge [sflag:s29], $0x1  }
0xbb: {  	[sflag:s29] =	ssyncadd.s32 $0xFFFFFFFF  }
0xbc: {  	_ =	strace $0x9000004E  }
0xbd: {  	_ =	sfence  }
0xbe: {  	s30 =	sld [smem:$0x0];
	_ =	sdelay $0x2  }
0xbf: {  	s31 =	sshll.u32 s1, $0xD;
	s1 =	sshrl.u32 s1, $0x2  }
0xc0: {  	s3 =	sand.u32 $0x4000, s31;
	s1 =	sadd.s32 s1, s30  }
0xc1: {  	s0 =	sor.u32 s3, s0;
	s1 =	sshll.u32 s1, $0x11  }
0xc2: {  	s0 =	sor.u32 s1, s0  }
0xc3: {  	s0 =	sadd.s32 $0x8F2B, s0  }
0xc4: {  	[sflag:s0] =	ssyncadd.remote.s32 $0x1  }
0xc5: {  	_ =	sfence.sel $0xFFFF  }
0xc6: {  	[dreg:$0x0] =	wrdreg $0xFFFFFFFF;
	(pc) =	sbr.abs _section_cstart, $3  }
0xc7: {  	[dreg:$0x1] =	wrdreg $0xFFFFFFFF  }
0xc8: {  	_ =	task.clear_ibuf [dreg:s7], $0x2FFFF;
	_ =	strace $0x9FFFFFFF  }
0xc9: {  	(tm) =	ssettm $0x7FFFFFFF  }
tec
execute0_lowered:
.L_overlay_start_1:
0x0: {  	(tag) =	ssettag $0x1  }
0x1: {  	s2 =	rddreg [dreg:$0x0]  }
0x2: {  	s5 =	rddreg [dreg:$0x1]  }
0x3: {  	s3 =	rddreg [dreg:$0x2]  }
0x4: {  	s0 =	rddreg [dreg:$0x3];
	s1 =	stileid.u32  }
0x5: {  	s6 =	srdreg.scid;
	s4 =	simm.s32 $0x0;
	s16 =	simm.s32 $0x80  }
0x6: {  	s17 =	simm.s32 $0x2800;
	s18 =	simm.s32 $0x6800;
	s19 =	simm.s32 $0x1  }
0x7: {  	s20 =	simm.s32 $0x2;
	s21 =	simm.s32 $0x2700;
	s22 =	simm.s32 $0x2780  }
0x8: {  	s23 =	simm.s32 $0x0;
	s7 =	smul.u32 $0x13C00, s1;
	s6 =	sand.u32 $0x1, s6  }
0x9: {  	[smem:$0x7FF] =	sst s4;
	s9 =	sadd.s32 $0xDE00, s5;
	s25 =	smul.u32 $0x4F000, s1  }
0xa: {  	s11 =	sadd.s32 $0x3E00, s5;
	s30 =	sshll.u32 s1, $0x6;
	s8 =	smul.u32 $0x13C000, s6  }
0xb: {  	_ =	strace $0x8000004D;
	s12 =	sshll.u32 s6, $0x4;
	s26 =	ssub.s32 $0x2, s6  }
0xc: {  	s6 =	sor.u32 $0x1C03, s30;
	s10 =	sshrl.u32 s7, $0x3;
	s28 =	sor.u32 s1, s12  }
0xd: {  	s29 =	sshrl.u32 s26, $0x1;
	s10 =	sadd.s32 s10, s5;
	s7 =	sadd.s32 s7, s8  }
0xe: {  	s8 =	sshrl.u32 s25, $0x2;
	s12 =	smul.u32 $0x2800, s28;
	s7 =	sshrl.u32 s7, $0x3  }
0xf: {  	s14 =	ssub.s32 s26, s29;
	s15 =	sadd.s32 s8, s3;
	s13 =	sadd.s32 s7, s5  }
0x10: {  	s5 =	sadd.s32 $0x17E00, s10;
	s31 =	sshrl.u32 s12, $0x3;
	s12 =	smax.u32 s14, $0x1  }
0x11: {  	s14 =	simm.s32 $0x3;
	s7 =	sadd.s32 s9, s31;
	s10 =	sadd.s32 $0x280, s31  }
0x12: {  	s8 =	sadd.s32 s11, s31;
	s9 =	sadd.s32 s9, s10;
	s10 =	sadd.s32 s11, s10  }
0x13: {  	s11 =	sadd.s32 $0x66800, s13;
	s13 =	sshrl.u32 s15, $0x3;
	s15 =	simm.s32 $0x1400  }
.LBB2_1:
0x14: {  	[spmem:s13], [sflag:s6] =	dma.local [hbm:s5], $0x2780  }
0x15: {  	_ =	swait.ge [sflag:s14], $0x2780  }
0x16: {  	[sflag:s14] =	ssyncset.done $0x0  }
0x17: {  	[sflag:s14] =	ssyncadd.s32 $0xFFFFD880  }
0x18: {  	[bflag:$0x0] =	sbarrier.arrive $0xFFFF  }
0x19: {  	[tilespmem:s4], [sflag:$0x3] =	stream.linear.gather [hbm4b:s7+s4], $0x1400, $0x38;
	[tilespmem:$0x1E400] =	vst v63  }
0x1a: {  	_ =	swait.ge [sflag:s14], $0x1400  }
0x1b: {  	[sflag:s14] =	ssyncset.done $0x0  }
0x1c: {  	[sflag:s14] =	ssyncadd.s32 $0xFFFFEC00  }
0x1d: {  	[tilespmem:s15], [sflag:$0x3] =	stream.linear.gather [hbm4b:s8+s4], $0x1400, $0x38;
	[tilespmem:$0x1E400] =	vst v63  }
0x1e: {  	_ =	swait.ge [sflag:s14], $0x1400  }
0x1f: {  	[sflag:s14] =	ssyncset.done $0x0  }
0x20: {  	[sflag:s14] =	ssyncadd.s32 $0xFFFFEC00  }
0x21: {  	[tilespmem:s17], [sflag:$0x1] =	stream.indirect.gather [hbm4b:s2+s16], $0x80, s4, s16, $0xb8;
	[tilespmem:$0x1E400] =	vst v63  }
0x22: {  	_ = 	snop  }
0x23: {  	[tilespmem:s18], [sflag:$0x2] =	stream.indirect.gather [hbm4b:s2+s16], $0x80, s16, s16, $0xb8;
	[tilespmem:$0x1E400] =	vst v63  }
0x24: {  	_ =	swait.ge [sflag:s19], $0x4000  }
0x25: {  	[sflag:s19] =	ssyncset.done $0x0  }
0x26: {  	s24 =	simm.s32 $0x1400;
	[sflag:s19] =	ssyncadd.s32 $0xFFFFC000  }
0x27: {  	[spmem:s3] =	stream.indirect.scatter.add.f32 [tilespmem:s17], [sflag:$0x3], $0x80, s24, s16, $0xb8;
	[tilespmem:$0x1E400] =	vst v63  }
0x28: {  	_ =	swait.ge [sflag:s14], $0x4000  }
0x29: {  	[sflag:s14] =	ssyncset.done $0x0  }
0x2a: {  	s30 =	simm.s32 $0x100;
	[sflag:s14] =	ssyncadd.s32 $0xFFFFC000  }
0x2b: {  	[tilespmem:s17], [sflag:$0x1] =	stream.indirect.gather [hbm4b:s2+s16], $0x80, s30, s16, $0xb8;
	[tilespmem:$0x1E400] =	vst v63  }
0x2c: {  	_ =	swait.ge [sflag:s20], $0x4000  }
0x2d: {  	[sflag:s20] =	ssyncset.done $0x0  }
0x2e: {  	s31 =	simm.s32 $0x1480;
	[sflag:s20] =	ssyncadd.s32 $0xFFFFC000  }
0x2f: {  	[spmem:s3] =	stream.indirect.scatter.add.f32 [tilespmem:s18], [sflag:$0x3], $0x80, s31, s16, $0xb8;
	[tilespmem:$0x1E400] =	vst v63  }
0x30: {  	_ =	swait.ge [sflag:s14], $0x4000  }
0x31: {  	[sflag:s14] =	ssyncset.done $0x0  }
0x32: {  	s25 =	simm.s32 $0x180;
	s24 =	simm.s32 $0x400;
	[sflag:s14] =	ssyncadd.s32 $0xFFFFC000  }
.LBB2_2:
0x33: {  	[tilespmem:s18], [sflag:$0x2] =	stream.indirect.gather [hbm4b:s2+s16], $0x80, s25, s16, $0xb8;
	[tilespmem:$0x1E400] =	vst v63  }
0x34: {  	s25 =	smov.u32 s24  }
0x35: {  	p0 =	sne.s32 s24, $0x4800;
	s24 =	sadd.s32 $0x400, s24;
	_ =	swait.ge [sflag:s19], $0x4000  }
0x36: {  	s25 =	sshra.s32 s25, $0x2;
	[sflag:s19] =	ssyncset.done $0x0  }
0x37: {  	s26 =	sadd.s32 $0x1400, s25;
	[sflag:s19] =	ssyncadd.s32 $0xFFFFC000  }
0x38: {  	[spmem:s3] =	stream.indirect.scatter.add.f32 [tilespmem:s17], [sflag:$0x3], $0x80, s26, s16, $0xb8;
	[tilespmem:$0x1E400] =	vst v63  }
0x39: {  	_ =	swait.ge [sflag:s14], $0x4000  }
0x3a: {  	[sflag:s14] =	ssyncset.done $0x0  }
0x3b: {  	s26 =	sadd.s32 $0x100, s25;
	[sflag:s14] =	ssyncadd.s32 $0xFFFFC000  }
0x3c: {  	[tilespmem:s17], [sflag:$0x1] =	stream.indirect.gather [hbm4b:s2+s16], $0x80, s26, s16, $0xb8;
	[tilespmem:$0x1E400] =	vst v63  }
0x3d: {  	_ =	swait.ge [sflag:s20], $0x4000  }
0x3e: {  	[sflag:s20] =	ssyncset.done $0x0  }
.Ltmp0:
0x3f: {  	s26 =	sadd.s32 $0x1480, s25;
	[sflag:s20] =	ssyncadd.s32 $0xFFFFC000;
	(pc) =	sbr.rel @p0 .LBB2_2-.Ltmp0, $4  }
0x40: {  	[spmem:s3] =	stream.indirect.scatter.add.f32 [tilespmem:s18], [sflag:$0x3], $0x80, s26, s16, $0xb8;
	[tilespmem:$0x1E400] =	vst v63  }
0x41: {  	_ =	swait.ge [sflag:s14], $0x4000  }
0x42: {  	[sflag:s14] =	ssyncset.done $0x0  }
0x43: {  	s25 =	sadd.s32 $0x180, s25;
	[sflag:s14] =	ssyncadd.s32 $0xFFFFC000  }
0x44: {  	[tilespmem:s18], [sflag:$0x2] =	stream.indirect.gather [hbm4b:s2+s16], $0x80, s25, s16, $0xb8;
	[tilespmem:$0x1E400] =	vst v63  }
0x45: {  	_ =	swait.ge [sflag:s19], $0x4000  }
0x46: {  	[sflag:s19] =	ssyncset.done $0x0  }
0x47: {  	[sflag:s19] =	ssyncadd.s32 $0xFFFFC000  }
0x48: {  	[spmem:s3] =	stream.indirect.scatter.add.f32 [tilespmem:s17], [sflag:$0x3], $0x80, s21, s16, $0xb8;
	[tilespmem:$0x1E400] =	vst v63  }
0x49: {  	_ =	swait.ge [sflag:s14], $0x4000  }
0x4a: {  	[sflag:s14] =	ssyncset.done $0x0  }
0x4b: {  	[sflag:s14] =	ssyncadd.s32 $0xFFFFC000  }
0x4c: {  	_ =	swait.ge [sflag:s20], $0x4000  }
0x4d: {  	[sflag:s20] =	ssyncset.done $0x0  }
0x4e: {  	[sflag:s20] =	ssyncadd.s32 $0xFFFFC000  }
0x4f: {  	[spmem:s3] =	stream.indirect.scatter.add.f32 [tilespmem:s18], [sflag:$0x3], $0x80, s22, s16, $0xb8;
	[tilespmem:$0x1E400] =	vst v63  }
0x50: {  	_ =	swait.ge [sflag:s14], $0x4000  }
0x51: {  	[sflag:s14] =	ssyncset.done $0x0  }
0x52: {  	s24 =	simm.s32 $0x0;
	[sflag:s14] =	ssyncadd.s32 $0xFFFFC000  }
0x53: {  	[tilespmem:s24], [sflag:$0x3] =	stream.linear.gather [hbm4b:s9+s24], $0x1400, $0x38;
	[tilespmem:$0x1E400] =	vst v63  }
0x54: {  	_ =	swait.ge [sflag:s14], $0x1400  }
0x55: {  	[sflag:s14] =	ssyncset.done $0x0  }
0x56: {  	[sflag:s14] =	ssyncadd.s32 $0xFFFFEC00  }
0x57: {  	[tilespmem:s15], [sflag:$0x3] =	stream.linear.gather [hbm4b:s10+s24], $0x1400, $0x38;
	[tilespmem:$0x1E400] =	vst v63  }
0x58: {  	_ =	swait.ge [sflag:s14], $0x1400  }
0x59: {  	[sflag:s14] =	ssyncset.done $0x0  }
0x5a: {  	[sflag:s14] =	ssyncadd.s32 $0xFFFFEC00  }
0x5b: {  	[tilespmem:s17], [sflag:$0x1] =	stream.indirect.gather [hbm4b:s2+s16], $0x80, s24, s16, $0xb8;
	[tilespmem:$0x1E400] =	vst v63  }
0x5c: {  	_ = 	snop  }
0x5d: {  	[tilespmem:s18], [sflag:$0x2] =	stream.indirect.gather [hbm4b:s2+s16], $0x80, s16, s16, $0xb8;
	[tilespmem:$0x1E400] =	vst v63  }
0x5e: {  	_ =	swait.ge [sflag:s19], $0x4000  }
0x5f: {  	[sflag:s19] =	ssyncset.done $0x0  }
0x60: {  	s29 =	simm.s32 $0x1400;
	[sflag:s19] =	ssyncadd.s32 $0xFFFFC000  }
0x61: {  	[spmem:s3] =	stream.indirect.scatter.add.f32 [tilespmem:s17], [sflag:$0x3], $0x80, s29, s16, $0xb8;
	[tilespmem:$0x1E400] =	vst v63  }
0x62: {  	_ =	swait.ge [sflag:s14], $0x4000  }
0x63: {  	[sflag:s14] =	ssyncset.done $0x0  }
0x64: {  	s30 =	simm.s32 $0x100;
	[sflag:s14] =	ssyncadd.s32 $0xFFFFC000  }
0x65: {  	[tilespmem:s17], [sflag:$0x1] =	stream.indirect.gather [hbm4b:s2+s16], $0x80, s30, s16, $0xb8;
	[tilespmem:$0x1E400] =	vst v63  }
0x66: {  	_ =	swait.ge [sflag:s20], $0x4000  }
0x67: {  	[sflag:s20] =	ssyncset.done $0x0  }
0x68: {  	s31 =	simm.s32 $0x1480;
	[sflag:s20] =	ssyncadd.s32 $0xFFFFC000  }
0x69: {  	[spmem:s3] =	stream.indirect.scatter.add.f32 [tilespmem:s18], [sflag:$0x3], $0x80, s31, s16, $0xb8;
	[tilespmem:$0x1E400] =	vst v63  }
0x6a: {  	_ =	swait.ge [sflag:s14], $0x4000  }
0x6b: {  	[sflag:s14] =	ssyncset.done $0x0  }
0x6c: {  	s25 =	simm.s32 $0x180;
	s24 =	simm.s32 $0x400;
	[sflag:s14] =	ssyncadd.s32 $0xFFFFC000  }
.LBB2_4:
0x6d: {  	[tilespmem:s18], [sflag:$0x2] =	stream.indirect.gather [hbm4b:s2+s16], $0x80, s25, s16, $0xb8;
	[tilespmem:$0x1E400] =	vst v63  }
0x6e: {  	s25 =	smov.u32 s24  }
0x6f: {  	p0 =	sne.s32 s24, $0x4800;
	s24 =	sadd.s32 $0x400, s24;
	_ =	swait.ge [sflag:s19], $0x4000  }
0x70: {  	s25 =	sshra.s32 s25, $0x2;
	[sflag:s19] =	ssyncset.done $0x0  }
0x71: {  	s26 =	sadd.s32 $0x1400, s25;
	[sflag:s19] =	ssyncadd.s32 $0xFFFFC000  }
0x72: {  	[spmem:s3] =	stream.indirect.scatter.add.f32 [tilespmem:s17], [sflag:$0x3], $0x80, s26, s16, $0xb8;
	[tilespmem:$0x1E400] =	vst v63  }
0x73: {  	_ =	swait.ge [sflag:s14], $0x4000  }
0x74: {  	[sflag:s14] =	ssyncset.done $0x0  }
0x75: {  	s26 =	sadd.s32 $0x100, s25;
	[sflag:s14] =	ssyncadd.s32 $0xFFFFC000  }
0x76: {  	[tilespmem:s17], [sflag:$0x1] =	stream.indirect.gather [hbm4b:s2+s16], $0x80, s26, s16, $0xb8;
	[tilespmem:$0x1E400] =	vst v63  }
0x77: {  	_ =	swait.ge [sflag:s20], $0x4000  }
0x78: {  	[sflag:s20] =	ssyncset.done $0x0  }
.Ltmp1:
0x79: {  	s26 =	sadd.s32 $0x1480, s25;
	[sflag:s20] =	ssyncadd.s32 $0xFFFFC000;
	(pc) =	sbr.rel @p0 .LBB2_4-.Ltmp1, $4  }
0x7a: {  	[spmem:s3] =	stream.indirect.scatter.add.f32 [tilespmem:s18], [sflag:$0x3], $0x80, s26, s16, $0xb8;
	[tilespmem:$0x1E400] =	vst v63  }
0x7b: {  	_ =	swait.ge [sflag:s14], $0x4000  }
0x7c: {  	[sflag:s14] =	ssyncset.done $0x0  }
0x7d: {  	s25 =	sadd.s32 $0x180, s25;
	[sflag:s14] =	ssyncadd.s32 $0xFFFFC000  }
0x7e: {  	[tilespmem:s18], [sflag:$0x2] =	stream.indirect.gather [hbm4b:s2+s16], $0x80, s25, s16, $0xb8;
	[tilespmem:$0x1E400] =	vst v63  }
0x7f: {  	_ =	swait.ge [sflag:s19], $0x4000  }
0x80: {  	[sflag:s19] =	ssyncset.done $0x0  }
0x81: {  	[sflag:s19] =	ssyncadd.s32 $0xFFFFC000  }
0x82: {  	[spmem:s3] =	stream.indirect.scatter.add.f32 [tilespmem:s17], [sflag:$0x3], $0x80, s21, s16, $0xb8;
	[tilespmem:$0x1E400] =	vst v63  }
0x83: {  	_ =	swait.ge [sflag:s14], $0x4000  }
0x84: {  	[sflag:s14] =	ssyncset.done $0x0  }
0x85: {  	[sflag:s14] =	ssyncadd.s32 $0xFFFFC000  }
0x86: {  	_ =	swait.ge [sflag:s20], $0x4000  }
0x87: {  	[sflag:s20] =	ssyncset.done $0x0  }
0x88: {  	[sflag:s20] =	ssyncadd.s32 $0xFFFFC000  }
0x89: {  	[spmem:s3] =	stream.indirect.scatter.add.f32 [tilespmem:s18], [sflag:$0x3], $0x80, s22, s16, $0xb8;
	[tilespmem:$0x1E400] =	vst v63  }
0x8a: {  	_ =	swait.ge [sflag:s14], $0x4000  }
0x8b: {  	s23 =	sadd.s32 $0x1, s23;
	[sflag:s14] =	ssyncset.done $0x0  }
0x8c: {  	p0 =	sne.s32 s23, s12;
	[sflag:s14] =	ssyncadd.s32 $0xFFFFC000  }
.Ltmp2:
0x8d: {  	[bflag:$0x0] =	sbarrier.arrive $0xFFFF;
	(pc) =	sbr.rel @p0 .LBB2_1-.Ltmp2, $4  }
0x8e: {  	[hbm:s11], [sflag:s6] =	dma.local [spmem:s13], $0x2780  }
0x8f: {  	_ =	swait.ge [sflag:s14], $0x2780  }
0x90: {  	[sflag:s14] =	ssyncset.done $0x0  }
0x91: {  	[sflag:s14] =	ssyncadd.s32 $0xFFFFD880  }
0x92: {  	_ =	sfence.sel $0x180000  }
0x93: {  	[bflag:$0x0] =	sbarrier.arrive $0xFFFF  }
0x94: {  	p0 =	sne.s32 s1, $0x0;
	_ =	strace $0x9000004D  }
0x95: {  	s0 =	sadd.s32 @!p0 $0x100000, s0;
	[bflag:$0x2] =	sbarrier.arrive $0xFFFF  }
0x96: {  	[sflag:s0] =	ssyncadd.tile.s32 @!p0 $0x1;
	_ =	shalt  }
.Lfunc_end2:
_tile_overlayer_lowered:
.L_overlay_start_2:
0x97: {  	(tag) =	ssettag $0x2  }
0x98: {  	s0 =	rddreg [dreg:$0x0];
	s2 =	stileid.u32  }
0x99: {  	s1 =	rddreg [dreg:$0x1];
	p0 =	sne.s32 s2, $0x0  }
0x9a: {  	s3 =	rddreg [dreg:$0x2];
	[bflag:$0x3] =	sbarrier.arrive $0xFFFF;
	s2 =	simm.s32 @!p0 $0x1C03  }
0x9b: {  	[timem:s3], [sflag:s2] =	dma.local @!p0 [hbm:s0], s1  }
0x9c: {  	s0 =	simm.s32 @!p0 $0x3  }
0x9d: {  	_ =	swait.ge @!p0 [sflag:s0], s1  }
0x9e: {  	s1 =	ssub.s32 @!p0 $0x0, s1;
	[sflag:s0] =	ssyncset.done @!p0 $0x0  }
0x9f: {  	[sflag:s0] =	ssyncadd.s32 @!p0 s1  }
0xa0: {  	[bflag:$0x3] =	sbarrier.arrive $0xFFFF  }
0xa1: {  	_ =	shalt  }

// kernel: kernel.9.cloned.1.call-start
scs
__scs_entry_jumppad:
0x0: {  	(pc) =	sbr.rel $0x88, $3  }
0x1: {  	(tag) =	ssettag $0x0;
	lr =	simm.s32 $0x1  }
0x2: {  	[smem:$0x3F9A] =	sst lr;
	_ =	strace $0xD0000000  }
0x3: {  	_ = 	snop  }
0x4: {  	_ = 	snop  }
0x5: {  	_ = 	snop  }
0x6: {  	_ = 	snop  }
0x7: {  	_ = 	snop  }
__scs_overlays_trampoline_lowered:
0x8: {  	[smem:$0x3FA9] =	sst s0  }
0x9: {  	[smem:$0x3FAA] =	sst s1  }
0xa: {  	[smem:$0x3FAB] =	sst s2  }
0xb: {  	[smem:$0x3FAC] =	sst s3  }
0xc: {  	[smem:$0x3FAD] =	sst s4  }
0xd: {  	[smem:$0x3FAE] =	sst s5  }
0xe: {  	[smem:$0x3FAF] =	sst s6  }
0xf: {  	[smem:$0x3FB0] =	sst s7  }
0x10: {  	[smem:$0x3FB1] =	sst s8  }
0x11: {  	[smem:$0x3FB2] =	sst s9;
	s0 =	simm.s32 @!p0 $0x0  }
0x12: {  	s1 =	sld [smem:$0x3F98];
	s0 =	simm.s32 @p0 $0x1  }
0x13: {  	[smem:$0x3FB3] =	sst s0;
	s0 =	simm.s32 @!p1 $0x0  }
0x14: {  	s2 =	sld [smem:$0x3F97];
	s0 =	simm.s32 @p1 $0x1  }
0x15: {  	[smem:$0x3FB4] =	sst s0;
	s0 =	simm.s32 @!p2 $0x0  }
0x16: {  	s3 =	sld [smem:$0x3FDB];
	s0 =	simm.s32 @p2 $0x1  }
0x17: {  	s4 =	simm.s32 $0x1BF5;
	[smem:$0x3FB6] =	sst s0  }
0x18: {  	s0 =	sld [smem:$0x3F99];
	_ =	swait.ge [sflag:s4], $0x0  }
0x19: {  	s7 =	sld [smem:$0x3F9A]  }
0x1a: {  	s8 =	sadd.s32 $0xFFFFE003, lr  }
0x1b: {  	s9 =	sadd.s32 $0xFFFFFEF7, lr;
	s5 =	simm.s32 $0xFFFFFFFF;
	p2 =	slt.u32 s8, $0xFFFFF086  }
0x1c: {  	p1 =	slt.u32 s9, $0xF7A;
	s5 =	simm.s32 @!p2 $0x0  }
0x1d: {  	s5 =	simm.s32 @p1 $0x1;
	p0 =	seq.s32 s7, s2  }
0x1e: {  	s7 =	smul.u32 @!p0 $0xF7A, s2;
	p2 =	seq.s32 @!p0 s5, $0x0  }
0x1f: {  	s9 =	smul.u32 $0xF7A, s1;
	s8 =	simm.s32 @!p0 $0x1BF5;
	p2 =	por !p2, p0  }
0x20: {  	[sflag:s8] =	ssyncset.s32 @!p0 $0xFFFFF086;
	s6 =	sadd.s32 @!p0 s3, s7;
	s7 =	simm.s32 @!p0 $0x108  }
0x21: {  	s3 =	sadd.s32 s3, s9;
	s6 =	sadd.s32 @!p0 $0x88, s6;
	s7 =	simm.s32 @p2 $0x1082  }
0x22: {  	[simem:s7], [sflag:s8] =	dma.local @!p0 [hbm:s6], $0xF7A  }
0x23: {  	s9 =	sor.u32 $0xD0000000, s2;
	s6 =	simm.s32 $0x108;
	_ =	swait.ge @!p0 [sflag:s8], $0x0  }
0x24: {  	s3 =	sadd.s32 $0x88, s3;
	s6 =	simm.s32 @!p1 $0x1082;
	[sflag:s4] =	ssyncset.s32 $0xFFFFF086  }
0x25: {  	[simem:s6], [sflag:s4] =	dma.local [hbm:s3], $0xF7A  }
0x26: {  	[smem:$0x3F9A] =	sst s1;
	(tag) =	ssettag s2;
	_ =	strace s9  }
0x27: {  	s1 =	sld [smem:$0x3FAA]  }
0x28: {  	s2 =	sld [smem:$0x3FAB]  }
0x29: {  	s4 =	sld [smem:$0x3FAD]  }
0x2a: {  	p0 =	seq.s32 s5, $0x0;
	s5 =	sld [smem:$0x3FAE]  }
0x2b: {  	s6 =	sld [smem:$0x3FAF]  }
0x2c: {  	s7 =	sld [smem:$0x3FB0]  }
0x2d: {  	s3 =	simm.s32 $0x108;
	s8 =	sld [smem:$0x3FB1]  }
0x2e: {  	s3 =	simm.s32 @!p0 $0x1082;
	s9 =	sld [smem:$0x3FB2]  }
0x2f: {  	lr =	sadd.s32 s0, s3;
	s0 =	sld [smem:$0x3FA9]  }
0x30: {  	s3 =	sld [smem:$0x3FAC]  }
0x31: {  	[smem:$0x3FB5] =	sst s10  }
0x32: {  	s10 =	sld [smem:$0x3FB3];
	_ =	sdelay $0x3  }
0x33: {  	p0 =	seq.s32 s10, $0x1;
	s10 =	sld [smem:$0x3FB5];
	_ =	sdelay $0x3  }
0x34: {  	[smem:$0x3FB5] =	sst s10  }
0x35: {  	s10 =	sld [smem:$0x3FB4];
	_ =	sdelay $0x3  }
0x36: {  	p1 =	seq.s32 s10, $0x1;
	s10 =	sld [smem:$0x3FB5];
	_ =	sdelay $0x3  }
0x37: {  	[smem:$0x3FB5] =	sst s10  }
0x38: {  	s10 =	sld [smem:$0x3FB6]  }
0x39: {  	_ = 	snop;
	(pc) =	sbr.ind lr, $3  }
0x3a: {  	_ = 	snop  }
0x3b: {  	_ = 	snop  }
0x3c: {  	p2 =	seq.s32 s10, $0x1;
	s10 =	sld [smem:$0x3FB5]  }
0x3d: {  	_ =	shalt  }
0x3e: {  	_ =	shalt  }
0x3f: {  	_ =	shalt  }
0x40: {  	_ =	shalt  }
0x41: {  	_ =	shalt  }
0x42: {  	_ =	shalt  }
0x43: {  	_ =	shalt  }
0x44: {  	_ =	shalt  }
0x45: {  	_ =	shalt  }
0x46: {  	_ =	shalt  }
0x47: {  	_ =	shalt  }
0x48: {  	_ =	shalt  }
0x49: {  	_ =	shalt  }
0x4a: {  	_ =	shalt  }
0x4b: {  	_ =	shalt  }
0x4c: {  	_ =	shalt  }
0x4d: {  	_ =	shalt  }
0x4e: {  	_ =	shalt  }
0x4f: {  	_ =	shalt  }
0x50: {  	_ =	shalt  }
0x51: {  	_ =	shalt  }
0x52: {  	_ =	shalt  }
0x53: {  	_ =	shalt  }
0x54: {  	_ =	shalt  }
0x55: {  	_ =	shalt  }
0x56: {  	_ =	shalt  }
0x57: {  	_ =	shalt  }
0x58: {  	_ =	shalt  }
0x59: {  	_ =	shalt  }
0x5a: {  	_ =	shalt  }
0x5b: {  	_ =	shalt  }
0x5c: {  	_ =	shalt  }
0x5d: {  	_ =	shalt  }
0x5e: {  	_ =	shalt  }
0x5f: {  	_ =	shalt  }
0x60: {  	_ =	shalt  }
0x61: {  	_ =	shalt  }
0x62: {  	_ =	shalt  }
0x63: {  	_ =	shalt  }
0x64: {  	_ =	shalt  }
0x65: {  	_ =	shalt  }
0x66: {  	_ =	shalt  }
0x67: {  	_ =	shalt  }
0x68: {  	_ =	shalt  }
0x69: {  	_ =	shalt  }
0x6a: {  	_ =	shalt  }
0x6b: {  	_ =	shalt  }
0x6c: {  	_ =	shalt  }
0x6d: {  	_ =	shalt  }
0x6e: {  	_ =	shalt  }
0x6f: {  	_ =	shalt  }
0x70: {  	_ =	shalt  }
0x71: {  	_ =	shalt  }
0x72: {  	_ =	shalt  }
0x73: {  	_ =	shalt  }
0x74: {  	_ =	shalt  }
0x75: {  	_ =	shalt  }
0x76: {  	_ =	shalt  }
0x77: {  	_ =	shalt  }
0x78: {  	_ =	shalt  }
0x79: {  	_ =	shalt  }
0x7a: {  	_ =	shalt  }
0x7b: {  	_ =	shalt  }
0x7c: {  	_ =	shalt  }
0x7d: {  	_ =	shalt  }
0x7e: {  	_ =	shalt  }
0x7f: {  	_ =	shalt  }
0x80: {  	_ =	shalt  }
0x81: {  	_ =	shalt  }
0x82: {  	_ =	shalt  }
0x83: {  	_ =	shalt  }
0x84: {  	_ =	shalt  }
0x85: {  	_ =	shalt  }
0x86: {  	_ =	shalt  }
0x87: {  	_ =	shalt  }
.Lfunc_end0:
.L_simem_size_0:
called_computation_lowered:
.L_overlay_start_0:
0x88: {  	s2 =	sld [smem:$0x3FD9]  }
0x89: {  	s3 =	sld [smem:$0x3FFE];
	_ =	sdelay $0x1  }
0x8a: {  	s1 =	srdreg.scid  }
0x8b: {  	s0 =	sand.u32 $0x1, s1  }
0x8c: {  	s14 =	sshll.u32 s0, $0xA;
	s2 =	sadd.s32 s3, s2  }
0x8d: {  	s2 =	sadd.s32 s2, s14  }
0x8e: {  	[smem:$0x3FC1] =	sst s2  }
0x8f: {  	_ = 	snop  }
0x90: {  	s2 =	sld [smem:$0x3FD0];
	_ =	sdelay $0x2  }
0x91: {  	s15 =	simm.s32 $0xA;
	s4 =	simm.s32 $0x10  }
0x92: {  	[smem:s4], [sflag:s15] =	dma.local [hbm:s2], $0x1  }
0x93: {  	_ =	swait.eq [sflag:s15], $0x1  }
0x94: {  	[sflag:s15] =	ssyncset.done $0x0  }
0x95: {  	[sflag:s15] =	ssyncadd.s32 $0xFFFFFFFF  }
0x96: {  	s16 =	sld [smem:$0x10];
	(tm) =	ssettm $0x1  }
0x97: {  	s17 =	sld [smem:$0x3FFB];
	_ =	sdelay $0x3  }
0x98: {  	_ =	strace s17  }
0x99: {  	s3 =	sld [smem:$0x3FFC];
	_ =	sdelay $0x3  }
0x9a: {  	_ =	strace s3  }
0x9b: {  	s3 =	sld [smem:$0x3FFD];
	_ =	sdelay $0x3  }
0x9c: {  	_ =	strace s3  }
0x9d: {  	_ =	strace $0x8FFFFFFF  }
0x9e: {  	s18 =	sld [smem:$0x3FDB];
	_ =	sdelay $0x1  }
0x9f: {  	s19 =	simm.s32 $_scs_section_size  }
0xa0: {  	s5 =	simm.s32 $_size__tile_overlayer_lowered;
	s6 =	simm.s32 $_tile_overlayer_lowered  }
0xa1: {  	s22 =	simm.s32 $0x1BFF;
	s21 =	sshll.u32 s6, $0x1;
	s3 =	sadd.s32 s19, s18  }
0xa2: {  	s7 =	simm.s32 $0x0;
	s20 =	sshll.u32 s5, $0x1;
	s5 =	sadd.s32 s21, s3  }
0xa3: {  	[timem:s7], [sflag:s22] =	dma.local [hbm:s5], s20  }
0xa4: {  	_ =	swait.ge [sflag:s22], s20  }
0xa5: {  	s4 =	ssub.s32 $0x0, s20;
	[sflag:s22] =	ssyncset.done $0x0  }
0xa6: {  	[sflag:s22] =	ssyncadd.s32 s4;
	_ =	sdelay $0x1  }
0xa7: {  	s23 =	simm.s32 $0x1B8B  }
0xa8: {  	_ =	swait.ge [sflag:s23], $0x1  }
0xa9: {  	[sflag:s23] =	ssyncset.done $0x0  }
0xaa: {  	s25 =	simm.s32 $0x1B8E;
	s24 =	sld [smem:$0x3FFE];
	[sflag:s23] =	ssyncadd.s32 $0xFFFFFFFF  }
0xab: {  	s26 =	simm.s32 $execute0_lowered;
	[smem:$0x3FD2] =	sst s25  }
0xac: {  	s5 =	sshll.u32 s26, $0x1;
	_ =	strace $0x80000046;
	[dreg:$0x1] =	wrdreg $0xFFFFFFFF  }
0xad: {  	s28 =	simm.s32 $_size_execute0_lowered;
	s3 =	sadd.s32 s3, s5;
	[dreg:$0x0] =	wrdreg $0x0  }
0xae: {  	s5 =	sshll.u32 s28, $0x1;
	[dreg:$0x2] =	wrdreg s3  }
0xaf: {  	[dreg:$0x3] =	wrdreg s5  }
0xb0: {  	[dreg:$0x4] =	wrdreg $0xC0  }
0xb1: {  	_ =	task [dreg:s7], $0x5FFFF  }
0xb2: {  	[dreg:$0x1] =	wrdreg $0xFFFFFFFF  }
0xb3: {  	[dreg:$0x0] =	wrdreg $0x60  }
0xb4: {  	[dreg:$0x2] =	wrdreg s24  }
0xb5: {  	[dreg:$0x3] =	wrdreg s16  }
0xb6: {  	[dreg:$0x4] =	wrdreg $0x54000  }
0xb7: {  	[dreg:$0x5] =	wrdreg $0x9  }
0xb8: {  	_ =	task.clear_ibuf [dreg:s7], $0x6FFFF;
	_ =	strace $0x90000046  }
0xb9: {  	s29 =	simm.s32 $0x9;
	_ =	strace $0x80000048  }
0xba: {  	_ =	swait.ge [sflag:s29], $0x1  }
0xbb: {  	[sflag:s29] =	ssyncadd.s32 $0xFFFFFFFF  }
0xbc: {  	_ =	strace $0x90000048  }
0xbd: {  	_ =	sfence  }
0xbe: {  	s30 =	sld [smem:$0x0];
	_ =	sdelay $0x2  }
0xbf: {  	s31 =	sshll.u32 s1, $0xD;
	s1 =	sshrl.u32 s1, $0x2  }
0xc0: {  	s3 =	sand.u32 $0x4000, s31;
	s1 =	sadd.s32 s1, s30  }
0xc1: {  	s0 =	sor.u32 s3, s0;
	s1 =	sshll.u32 s1, $0x11  }
0xc2: {  	s0 =	sor.u32 s1, s0  }
0xc3: {  	s0 =	sadd.s32 $0x8F2B, s0  }
0xc4: {  	[sflag:s0] =	ssyncadd.remote.s32 $0x1  }
0xc5: {  	_ =	sfence.sel $0xFFFF  }
0xc6: {  	[dreg:$0x0] =	wrdreg $0xFFFFFFFF;
	(pc) =	sbr.abs _section_cstart, $3  }
0xc7: {  	[dreg:$0x1] =	wrdreg $0xFFFFFFFF  }
0xc8: {  	_ =	task.clear_ibuf [dreg:s7], $0x2FFFF;
	_ =	strace $0x9FFFFFFF  }
0xc9: {  	(tm) =	ssettm $0x7FFFFFFF  }
tec
execute0_lowered:
.L_overlay_start_1:
0x0: {  	(tag) =	ssettag $0x1  }
0x1: {  	s5 =	rddreg [dreg:$0x0]  }
0x2: {  	s2 =	rddreg [dreg:$0x1]  }
0x3: {  	s0 =	srdreg.scid;
	s3 =	rddreg [dreg:$0x2]  }
0x4: {  	s4 =	simm.s32 $0x0;
	s6 =	sand.u32 $0x1, s0;
	s0 =	stileid.u32  }
0x5: {  	s14 =	simm.s32 $0x80;
	s15 =	simm.s32 $0x0;
	s8 =	smul.u32 $0x13C00, s0  }
0x6: {  	[smem:$0x7FF] =	sst s4;
	s1 =	sshll.u32 s6, $0x4;
	s9 =	smul.u32 $0x13C000, s6  }
0x7: {  	s11 =	smul.u32 $0x4F000, s0;
	s6 =	ssub.s32 $0x2, s6;
	s12 =	sshll.u32 s0, $0x6  }
0x8: {  	s7 =	sor.u32 s0, s1;
	s1 =	rddreg [dreg:$0x3];
	_ =	strace $0x80000047  }
0x9: {  	s31 =	sshrl.u32 s6, $0x1;
	s12 =	sor.u32 $0x1C01, s12;
	s7 =	smul.u32 $0x2800, s7  }
0xa: {  	s10 =	sshrl.u32 s8, $0x3;
	s8 =	sadd.s32 s8, s9;
	s11 =	sshrl.u32 s11, $0x2  }
0xb: {  	s9 =	ssub.s32 s6, s31;
	s10 =	sadd.s32 s10, s5;
	s8 =	sshrl.u32 s8, $0x3  }
0xc: {  	s13 =	sadd.s32 s11, s3;
	s9 =	smax.u32 s9, $0x1;
	s11 =	simm.s32 $0x1  }
0xd: {  	s7 =	sshrl.u32 s7, $0x3;
	s8 =	sadd.s32 s8, s5;
	s13 =	sshrl.u32 s13, $0x3  }
0xe: {  	s7 =	sadd.s32 s7, s5;
	s5 =	sadd.s32 $0x17E00, s10;
	s8 =	sadd.s32 $0x3F600, s8  }
0xf: {  	s10 =	simm.s32 $0x1400;
	s6 =	sadd.s32 $0x3E00, s7;
	s7 =	sadd.s32 $0x4080, s7  }
.LBB2_1:
0x10: {  	[tilespmem:s10], [sflag:$0x1] =	stream.linear.gather [hbm4b:s2+s4], $0x4000, $0x38;
	[tilespmem:$0x19000] =	vst v63  }
0x11: {  	_ =	swait.ge [sflag:s11], $0x4000  }
0x12: {  	[sflag:s11] =	ssyncset.done $0x0  }
0x13: {  	[sflag:s11] =	ssyncadd.s32 $0xFFFFC000  }
0x14: {  	[spmem:s13], [sflag:s12] =	dma.local [hbm:s5], $0x2780  }
0x15: {  	_ =	swait.ge [sflag:s11], $0x2780  }
0x16: {  	[sflag:s11] =	ssyncset.done $0x0  }
0x17: {  	[sflag:s11] =	ssyncadd.s32 $0xFFFFD880  }
0x18: {  	[bflag:$0x0] =	sbarrier.arrive $0xFFFF  }
0x19: {  	[tilespmem:s4], [sflag:$0x1] =	stream.linear.gather [hbm4b:s6+s4], $0x1400, $0x38;
	[tilespmem:$0x19000] =	vst v63  }
0x1a: {  	_ =	swait.ge [sflag:s11], $0x1400  }
0x1b: {  	[sflag:s11] =	ssyncset.done $0x0  }
0x1c: {  	s16 =	simm.s32 $0x0;
	[sflag:s11] =	ssyncadd.s32 $0xFFFFEC00  }
0x1d: {  	[spmem:s3] =	stream.indirect.scatter.add.f32 [tilespmem:s10], [sflag:$0x1], $0x80, s16, s14, $0xb8;
	[tilespmem:$0x19000] =	vst v63  }
0x1e: {  	_ =	swait.ge [sflag:s11], $0x4000  }
0x1f: {  	s16 =	simm.s32 $0x200;
	[sflag:s11] =	ssyncset.done $0x0  }
.LBB2_2:
0x20: {  	s17 =	sshra.s32 s16, $0x2;
	[sflag:s11] =	ssyncadd.s32 $0xFFFFC000;
	p0 =	sne.s32 s16, $0x4E00  }
0x21: {  	[spmem:s3] =	stream.indirect.scatter.add.f32 [tilespmem:s10], [sflag:$0x1], $0x80, s17, s14, $0xb8;
	[tilespmem:$0x19000] =	vst v63  }
.Ltmp0:
0x22: {  	_ = 	snop;
	(pc) =	sbr.rel @p0 .LBB2_2-.Ltmp0, $4  }
0x23: {  	_ = 	snop  }
0x24: {  	s16 =	sadd.s32 $0x200, s16  }
0x25: {  	_ =	swait.ge [sflag:s11], $0x4000  }
0x26: {  	[sflag:s11] =	ssyncset.done $0x0  }
0x27: {  	[sflag:s11] =	ssyncadd.s32 $0xFFFFC000;
	s16 =	simm.s32 $0x0  }
0x28: {  	[tilespmem:s16], [sflag:$0x1] =	stream.linear.gather [hbm4b:s7+s16], $0x1400, $0x38;
	[tilespmem:$0x19000] =	vst v63  }
0x29: {  	_ =	swait.ge [sflag:s11], $0x1400  }
0x2a: {  	[sflag:s11] =	ssyncset.done $0x0  }
0x2b: {  	s31 =	simm.s32 $0x0;
	[sflag:s11] =	ssyncadd.s32 $0xFFFFEC00  }
0x2c: {  	[spmem:s3] =	stream.indirect.scatter.add.f32 [tilespmem:s10], [sflag:$0x1], $0x80, s31, s14, $0xb8;
	[tilespmem:$0x19000] =	vst v63  }
0x2d: {  	_ =	swait.ge [sflag:s11], $0x4000  }
0x2e: {  	s16 =	simm.s32 $0x200;
	[sflag:s11] =	ssyncset.done $0x0  }
.LBB2_4:
0x2f: {  	s17 =	sshra.s32 s16, $0x2;
	[sflag:s11] =	ssyncadd.s32 $0xFFFFC000;
	p0 =	sne.s32 s16, $0x4E00  }
0x30: {  	[spmem:s3] =	stream.indirect.scatter.add.f32 [tilespmem:s10], [sflag:$0x1], $0x80, s17, s14, $0xb8;
	[tilespmem:$0x19000] =	vst v63  }
.Ltmp1:
0x31: {  	_ = 	snop;
	(pc) =	sbr.rel @p0 .LBB2_4-.Ltmp1, $4  }
0x32: {  	_ = 	snop  }
0x33: {  	s16 =	sadd.s32 $0x200, s16  }
0x34: {  	_ =	swait.ge [sflag:s11], $0x4000  }
0x35: {  	[sflag:s11] =	ssyncset.done $0x0  }
0x36: {  	s15 =	sadd.s32 $0x1, s15  }
0x37: {  	[sflag:s11] =	ssyncadd.s32 $0xFFFFC000;
	p0 =	sne.s32 s15, s9  }
.Ltmp2:
0x38: {  	[bflag:$0x0] =	sbarrier.arrive $0xFFFF;
	(pc) =	sbr.rel @p0 .LBB2_1-.Ltmp2, $4  }
0x39: {  	[hbm:s8], [sflag:s12] =	dma.local [spmem:s13], $0x2780  }
0x3a: {  	_ =	swait.ge [sflag:s11], $0x2780  }
0x3b: {  	[sflag:s11] =	ssyncset.done $0x0  }
0x3c: {  	[sflag:s11] =	ssyncadd.s32 $0xFFFFD880  }
0x3d: {  	_ =	sfence.sel $0x180000  }
0x3e: {  	[bflag:$0x0] =	sbarrier.arrive $0xFFFF  }
0x3f: {  	p0 =	sne.s32 s0, $0x0;
	_ =	strace $0x90000047  }
0x40: {  	s0 =	sadd.s32 @!p0 $0x100000, s1;
	[bflag:$0x2] =	sbarrier.arrive $0xFFFF  }
0x41: {  	[sflag:s0] =	ssyncadd.tile.s32 @!p0 $0x1;
	_ =	shalt  }
.Lfunc_end2:
_tile_overlayer_lowered:
.L_overlay_start_2:
0x42: {  	(tag) =	ssettag $0x2  }
0x43: {  	s0 =	rddreg [dreg:$0x0];
	s2 =	stileid.u32  }
0x44: {  	s1 =	rddreg [dreg:$0x1];
	p0 =	sne.s32 s2, $0x0  }
0x45: {  	s3 =	rddreg [dreg:$0x2];
	[bflag:$0x3] =	sbarrier.arrive $0xFFFF;
	s2 =	simm.s32 @!p0 $0x1C01  }
0x46: {  	[timem:s3], [sflag:s2] =	dma.local @!p0 [hbm:s0], s1  }
0x47: {  	s0 =	simm.s32 @!p0 $0x1  }
0x48: {  	_ =	swait.ge @!p0 [sflag:s0], s1  }
0x49: {  	s1 =	ssub.s32 @!p0 $0x0, s1;
	[sflag:s0] =	ssyncset.done @!p0 $0x0  }
0x4a: {  	[sflag:s0] =	ssyncadd.s32 @!p0 s1  }
0x4b: {  	[bflag:$0x3] =	sbarrier.arrive $0xFFFF  }
0x4c: {  	_ =	shalt  }

</sc_bundles>
